<compile_context>
chip_gen: v7x
topology: tpu7x:2x2x1
jax: 0.10.2.dev20260603
libtpu: 0.0.44.dev20260713+nightly
codegen_flags: <defaults>
</compile_context>

<pallas_src>
import functools

import jax
import jax.numpy as jnp
from jax import lax
from jax.experimental import pallas as pl
from jax.experimental.pallas import tpu as pltpu
from jax.experimental.pallas import tpu_sc as plsc


_ROWS_PER_W = 512
_W_PER_B = 8
_GRP = 16
_BIG = 3.0e38


def _gather16(v, idx):
    dnums = lax.GatherDimensionNumbers(
        offset_dims=(), collapsed_slice_dims=(0,), start_index_map=(0,))
    return lax.gather(v, idx[:, None], dnums, (1,),
                      mode=lax.GatherScatterMode.PROMISE_IN_BOUNDS)


def _sc_body(xt_hbm, yt_hbm, out1_hbm, out2_hbm, xbuf, ybuf, d1buf, d2buf):
    c = lax.axis_index("c")
    s = lax.axis_index("s")
    wid = s * 2 + c
    b = wid // _W_PER_B
    r = wid % _W_PER_B
    row0 = r * _ROWS_PER_W

    pltpu.sync_copy(xt_hbm.at[b, :, pl.ds(row0, _ROWS_PER_W)], xbuf)
    pltpu.sync_copy(yt_hbm.at[b], ybuf)

    def init_chunk(j, carry):
        d2buf[pl.ds(j * 16, 16)] = jnp.full((16,), _BIG, jnp.float32)
        return carry

    lax.fori_loop(0, 256, init_chunk, 0)

    lane = lax.iota(jnp.int32, 16)

    def row_group(g, carry):
        vx0 = xbuf[0, pl.ds(g * _GRP, _GRP)]
        vx1 = xbuf[1, pl.ds(g * _GRP, _GRP)]
        vx2 = xbuf[2, pl.ds(g * _GRP, _GRP)]
        xs = [(vx0[q], vx1[q], vx2[q]) for q in range(_GRP)]

        def chunk(j, rms):
            y0 = ybuf[0, pl.ds(j * 16, 16)]
            y1 = ybuf[1, pl.ds(j * 16, 16)]
            y2 = ybuf[2, pl.ds(j * 16, 16)]
            d2v = d2buf[pl.ds(j * 16, 16)]
            new_rms = []
            for q in range(_GRP):
                t0 = xs[q][0] - y0
                t1 = xs[q][1] - y1
                t2 = xs[q][2] - y2
                d = t0 * t0 + t1 * t1 + t2 * t2
                d2v = jnp.minimum(d2v, d)
                new_rms.append(jnp.minimum(rms[q], d))
            d2buf[pl.ds(j * 16, 16)] = d2v
            return tuple(new_rms)

        init = tuple(jnp.full((16,), _BIG, jnp.float32) for _ in range(_GRP))
        rms = lax.fori_loop(0, 256, chunk, init)

        d1v = jnp.full((16,), _BIG, jnp.float32)
        for q in range(_GRP):
            v = rms[q]
            for sh in (8, 4, 2, 1):
                v = jnp.minimum(v, _gather16(v, lane ^ sh))
            d1v = jnp.where(lane == q, v, d1v)
        d1buf[pl.ds(g * _GRP, _GRP)] = d1v
        return carry

    lax.fori_loop(0, _ROWS_PER_W // _GRP, row_group, 0)

    pltpu.sync_copy(d1buf, out1_hbm.at[b, pl.ds(row0, _ROWS_PER_W)])
    pltpu.sync_copy(d2buf, out2_hbm.at[b, r])


def kernel(input1, input2):
    B, N, _ = input1.shape
    M = input2.shape[1]
    xt = jnp.transpose(input1, (0, 2, 1))
    yt = jnp.transpose(input2, (0, 2, 1))

    mesh = plsc.VectorSubcoreMesh(core_axis_name="c", subcore_axis_name="s")
    run = functools.partial(
        pl.kernel,
        mesh=mesh,
        out_type=[
            jax.ShapeDtypeStruct((B, N), jnp.float32),
            jax.ShapeDtypeStruct((B, _W_PER_B, M), jnp.float32),
        ],
        scratch_types=[
            pltpu.VMEM((3, _ROWS_PER_W), jnp.float32),
            pltpu.VMEM((3, M), jnp.float32),
            pltpu.VMEM((_ROWS_PER_W,), jnp.float32),
            pltpu.VMEM((M,), jnp.float32),
        ],
    )(_sc_body)
    out1, out2p = run(xt, yt)
    return out1, jnp.min(out2p, axis=1)

# --- scband reference (transcript-rebuilt; emitter-appended) ---
"""Pipeline reference for scband-nndmodule-53025666236475 (READ-ONLY COPY).

The authoritative reference and input builder live on the scoring server;
editing this copy changes nothing except your own understanding.
"""

import jax, jax.numpy as jnp
import numpy as np


def setup_inputs(seed: int = 0) -> dict:
    key = jax.random.key(seed)
    k1, k2 = jax.random.split(key)
    input1 = jax.random.normal(k1, (4, 4096, 3), dtype=jnp.float32)
    input2 = jax.random.normal(k2, (4, 4096, 3), dtype=jnp.float32)
    return {"input1": input1, "input2": input2}


def reference(input1, input2):
    # NNDFunction (nearest-neighbor distance / chamfer kernel):
    # dist1[b, n] = min_m ||input1[b, n] - input2[b, m]||^2
    # dist2[b, m] = min_n ||input1[b, n] - input2[b, m]||^2
    # Expand squared-distance to avoid materializing a [B, N, M, 3] tensor.
    x2 = jnp.sum(input1 * input1, axis=-1)                 # [B, N]
    y2 = jnp.sum(input2 * input2, axis=-1)                 # [B, M]
    xy = jnp.einsum('bnd,bmd->bnm', input1, input2)        # [B, N, M]
    d = x2[:, :, None] + y2[:, None, :] - 2.0 * xy         # [B, N, M]
    d = jnp.maximum(d, 0.0)
    dist1 = jnp.min(d, axis=2)                             # [B, N]
    dist2 = jnp.min(d, axis=1)                             # [B, M]
    return dist1, dist2

if __name__ == "__main__":
    import jax
    _d = setup_inputs()
    print(jax.jit(kernel)(*tuple(_d.values())))

</pallas_src>

<mosaic_0001>
#map = affine_map<(d0, d1) -> (0, 0, 0)>
#map1 = affine_map<(d0, d1) -> (0, 0)>
module attributes {stable_mosaic.version = 14 : i64} {
  func.func @_sc_body(%arg0: i32, %arg1: i32, %arg2: memref<4x3x4096xf32, #tpu.memory_space<hbm>>, %arg3: memref<4x3x4096xf32, #tpu.memory_space<hbm>>, %arg4: memref<4x4096xf32, #tpu.memory_space<hbm>>, %arg5: memref<4x8x4096xf32, #tpu.memory_space<hbm>>, %arg6: memref<3x512xf32, #tpu.memory_space<vmem>>, %arg7: memref<3x4096xf32, #tpu.memory_space<vmem>>, %arg8: memref<512xf32, #tpu.memory_space<vmem>>, %arg9: memref<4096xf32, #tpu.memory_space<vmem>>) attributes {dimension_semantics = [#tpu.dimension_semantics<core_parallel>, #tpu.dimension_semantics<subcore_parallel>], iteration_bounds = array<i64: 2, 16>, scalar_prefetch = 0 : i64, scratch_operands = 4 : i64, tpu.core_type = #tpu.core_type<sc_vector_subcore>, window_params = [{transform_indices = #map}, {transform_indices = #map}, {transform_indices = #map1}, {transform_indices = #map}]} {
    %mul3A = arith.constant 2 : i32
    %mul3A_0 = arith.muli %arg1, %mul3A : i32
    %add3A = arith.addi %mul3A_0, %arg0 : i32
    %jit3A = arith.constant 8 : i32
    %div3A = arith.divsi %add3A, %jit3A : i32
    %sign3A = arith.constant 0 : i32
    %sign3A_1 = arith.cmpi sgt, %add3A, %sign3A : i32
    %sign3A_2 = arith.extui %sign3A_1 : i1 to i32
    %sign3A_3 = arith.constant 0 : i32
    %sign3A_4 = arith.cmpi slt, %add3A, %sign3A_3 : i32
    %sign3A_5 = arith.extui %sign3A_4 : i1 to i32
    %sign3A_6 = arith.subi %sign3A_2, %sign3A_5 : i32
    %sign3A_7 = arith.constant 0 : i32
    %sign3A_8 = arith.cmpi sgt, %jit3A, %sign3A_7 : i32
    %sign3A_9 = arith.extui %sign3A_8 : i1 to i32
    %sign3A_10 = arith.constant 0 : i32
    %sign3A_11 = arith.cmpi slt, %jit3A, %sign3A_10 : i32
    %sign3A_12 = arith.extui %sign3A_11 : i1 to i32
    %sign3A_13 = arith.subi %sign3A_9, %sign3A_12 : i32
    %ne3A = arith.cmpi ne, %sign3A_6, %sign3A_13 : i32
    %rem3A = arith.remsi %add3A, %jit3A : i32
    %ne3A_14 = arith.constant 0 : i32
    %ne3A_15 = arith.cmpi ne, %rem3A, %ne3A_14 : i32
    %and3A = arith.andi %ne3A, %ne3A_15 : i1
    %sub3A = arith.constant 1 : i32
    %sub3A_16 = arith.subi %div3A, %sub3A : i32
    %select_n3A = arith.select %and3A, %sub3A_16, %div3A : i32
    %jit3A_17 = arith.constant 8 : i32
    %eq3A = arith.constant 0 : i32
    %eq3A_18 = arith.cmpi eq, %jit3A_17, %eq3A : i32
    %jit3A_19 = arith.constant 1 : i32
    %select_n3A_20 = arith.select %eq3A_18, %jit3A_19, %jit3A_17 : i32
    %rem3A_21 = arith.remsi %add3A, %select_n3A_20 : i32
    %ne3A_22 = arith.constant 0 : i32
    %ne3A_23 = arith.cmpi ne, %rem3A_21, %ne3A_22 : i32
    %lt3A = arith.constant 0 : i32
    %lt3A_24 = arith.cmpi slt, %rem3A_21, %lt3A : i32
    %lt3A_25 = arith.constant 0 : i32
    %lt3A_26 = arith.cmpi slt, %select_n3A_20, %lt3A_25 : i32
    %ne3A_27 = arith.xori %lt3A_24, %lt3A_26 : i1
    %and3A_28 = arith.andi %ne3A_27, %ne3A_23 : i1
    %add3A_29 = arith.addi %rem3A_21, %select_n3A_20 : i32
    %select_n3A_30 = arith.select %and3A_28, %add3A_29, %rem3A_21 : i32
    %mul3A_31 = arith.constant 512 : i32
    %mul3A_32 = arith.muli %select_n3A_30, %mul3A_31 : i32
    "tpu.region"() ({
      %run_scoped3A = tpu.sem_alloc : memref<!tpu.dma_semaphore, #tpu.memory_space<semaphore_mem>>
      %dma_start3A = arith.constant 0 : i32
      %dma_start3A_44 = tpu.memref_slice %arg2[%select_n3A, %dma_start3A, %mul3A_32] : memref<4x3x4096xf32, #tpu.memory_space<hbm>> -> memref<1x3x512xf32, #tpu.memory_space<hbm>>
      %dma_start3A_45 = tpu.memref_squeeze %dma_start3A_44 : memref<1x3x512xf32, #tpu.memory_space<hbm>> -> memref<3x512xf32, #tpu.memory_space<hbm>>
      %dma_start3A_46 = arith.constant 0 : i32
      %dma_start3A_47 = tpu.memref_slice %arg2[%select_n3A, %dma_start3A_46, %mul3A_32] : memref<4x3x4096xf32, #tpu.memory_space<hbm>> -> memref<1x3x512xf32, #tpu.memory_space<hbm>>
      %dma_start3A_48 = tpu.memref_squeeze %dma_start3A_47 : memref<1x3x512xf32, #tpu.memory_space<hbm>> -> memref<3x512xf32, #tpu.memory_space<hbm>>
      tpu.enqueue_dma source(%dma_start3A_48 : memref<3x512xf32, #tpu.memory_space<hbm>>) target(%arg6 : memref<3x512xf32, #tpu.memory_space<vmem>>) target_semaphore(%run_scoped3A : memref<!tpu.dma_semaphore, #tpu.memory_space<semaphore_mem>>)
      %dma_wait3A = arith.constant 0 : i32
      %dma_wait3A_49 = tpu.memref_slice %arg2[%select_n3A, %dma_wait3A, %mul3A_32] : memref<4x3x4096xf32, #tpu.memory_space<hbm>> -> memref<1x3x512xf32, #tpu.memory_space<hbm>>
      %dma_wait3A_50 = tpu.memref_squeeze %dma_wait3A_49 : memref<1x3x512xf32, #tpu.memory_space<hbm>> -> memref<3x512xf32, #tpu.memory_space<hbm>>
      %dma_wait3A_51 = arith.constant 0 : i32
      %dma_wait3A_52 = tpu.memref_slice %arg2[%select_n3A, %dma_wait3A_51, %mul3A_32] : memref<4x3x4096xf32, #tpu.memory_space<hbm>> -> memref<1x3x512xf32, #tpu.memory_space<hbm>>
      %dma_wait3A_53 = tpu.memref_squeeze %dma_wait3A_52 : memref<1x3x512xf32, #tpu.memory_space<hbm>> -> memref<3x512xf32, #tpu.memory_space<hbm>>
      tpu.wait_dma2 semaphore(%run_scoped3A : memref<!tpu.dma_semaphore, #tpu.memory_space<semaphore_mem>>) src(%dma_wait3A_53 : memref<3x512xf32, #tpu.memory_space<hbm>>) dst(%arg6 : memref<3x512xf32, #tpu.memory_space<vmem>>)
      tpu.yield
    }) : () -> ()
    "tpu.region"() ({
      %run_scoped3A = tpu.sem_alloc : memref<!tpu.dma_semaphore, #tpu.memory_space<semaphore_mem>>
      %dma_start3A = arith.constant 0 : i32
      %dma_start3A_44 = arith.constant 0 : i32
      %dma_start3A_45 = tpu.memref_slice %arg3[%select_n3A, %dma_start3A, %dma_start3A_44] : memref<4x3x4096xf32, #tpu.memory_space<hbm>> -> memref<1x3x4096xf32, #tpu.memory_space<hbm>>
      %dma_start3A_46 = tpu.memref_squeeze %dma_start3A_45 : memref<1x3x4096xf32, #tpu.memory_space<hbm>> -> memref<3x4096xf32, #tpu.memory_space<hbm>>
      %dma_start3A_47 = arith.constant 0 : i32
      %dma_start3A_48 = arith.constant 0 : i32
      %dma_start3A_49 = tpu.memref_slice %arg3[%select_n3A, %dma_start3A_47, %dma_start3A_48] : memref<4x3x4096xf32, #tpu.memory_space<hbm>> -> memref<1x3x4096xf32, #tpu.memory_space<hbm>>
      %dma_start3A_50 = tpu.memref_squeeze %dma_start3A_49 : memref<1x3x4096xf32, #tpu.memory_space<hbm>> -> memref<3x4096xf32, #tpu.memory_space<hbm>>
      tpu.enqueue_dma source(%dma_start3A_50 : memref<3x4096xf32, #tpu.memory_space<hbm>>) target(%arg7 : memref<3x4096xf32, #tpu.memory_space<vmem>>) target_semaphore(%run_scoped3A : memref<!tpu.dma_semaphore, #tpu.memory_space<semaphore_mem>>)
      %dma_wait3A = arith.constant 0 : i32
      %dma_wait3A_51 = arith.constant 0 : i32
      %dma_wait3A_52 = tpu.memref_slice %arg3[%select_n3A, %dma_wait3A, %dma_wait3A_51] : memref<4x3x4096xf32, #tpu.memory_space<hbm>> -> memref<1x3x4096xf32, #tpu.memory_space<hbm>>
      %dma_wait3A_53 = tpu.memref_squeeze %dma_wait3A_52 : memref<1x3x4096xf32, #tpu.memory_space<hbm>> -> memref<3x4096xf32, #tpu.memory_space<hbm>>
      %dma_wait3A_54 = arith.constant 0 : i32
      %dma_wait3A_55 = arith.constant 0 : i32
      %dma_wait3A_56 = tpu.memref_slice %arg3[%select_n3A, %dma_wait3A_54, %dma_wait3A_55] : memref<4x3x4096xf32, #tpu.memory_space<hbm>> -> memref<1x3x4096xf32, #tpu.memory_space<hbm>>
      %dma_wait3A_57 = tpu.memref_squeeze %dma_wait3A_56 : memref<1x3x4096xf32, #tpu.memory_space<hbm>> -> memref<3x4096xf32, #tpu.memory_space<hbm>>
      tpu.wait_dma2 semaphore(%run_scoped3A : memref<!tpu.dma_semaphore, #tpu.memory_space<semaphore_mem>>) src(%dma_wait3A_57 : memref<3x4096xf32, #tpu.memory_space<hbm>>) dst(%arg7 : memref<3x4096xf32, #tpu.memory_space<vmem>>)
      tpu.yield
    }) : () -> ()
    %scan3A = arith.constant 0 : i32
    %scan3A_33 = arith.constant 0 : i32
    %scan3A_34 = arith.constant 256 : i32
    %scan3A_35 = arith.addi %scan3A_33, %scan3A_34 : i32
    %scan3A_36 = arith.constant 1 : i32
    scf.for %scan3A_44 = %scan3A_33 to %scan3A_35 step %scan3A_36  : i32 {
      %broadcast_in_dim3A = arith.constant 3.000000e+38 : f32
      %broadcast_in_dim3A_45 = vector.broadcast %broadcast_in_dim3A : f32 to vector<16xf32>
      %mul3A_46 = arith.constant 16 : i32
      %mul3A_47 = arith.muli %scan3A_44, %mul3A_46 : i32
      %swap3A = arith.index_cast %mul3A_47 : i32 to index
      %swap3A_48 = tpu.vector_load %arg9[%swap3A] {strides = array<i32>} : memref<4096xf32, #tpu.memory_space<vmem>>, vector<16xf32>,
      %swap3A_49 = vector.shape_cast %swap3A_48 : vector<16xf32> to vector<16xf32>
      %swap3A_50 = vector.shape_cast %broadcast_in_dim3A_45 : vector<16xf32> to vector<16xf32>
      tpu.vector_store %arg9[%swap3A], %swap3A_50 {strides = array<i32>} : memref<4096xf32, #tpu.memory_space<vmem>>, vector<16xf32>,
    }
    %scan3A_37 = arith.constant 256 : i32
    %iota3A = tpu.iota {dimensions = array<i32: 0>} : vector<16xi32>
    %scan3A_38 = arith.constant 0 : i32
    %scan3A_39 = arith.constant 0 : i32
    %scan3A_40 = arith.constant 32 : i32
    %scan3A_41 = arith.addi %scan3A_39, %scan3A_40 : i32
    %scan3A_42 = arith.constant 1 : i32
    scf.for %scan3A_44 = %scan3A_39 to %scan3A_41 step %scan3A_42  : i32 {
      %mul3A_45 = arith.constant 16 : i32
      %mul3A_46 = arith.muli %scan3A_44, %mul3A_45 : i32
      %get3A = arith.constant 0 : i32
      %get3A_47 = arith.index_cast %get3A : i32 to index
      %get3A_48 = arith.index_cast %mul3A_46 : i32 to index
      %get3A_49 = tpu.vector_load %arg6[%get3A_47, %get3A_48] {strides = array<i32>} : memref<3x512xf32, #tpu.memory_space<vmem>>, vector<1x16xf32>,
      %get3A_50 = vector.shape_cast %get3A_49 : vector<1x16xf32> to vector<16xf32>
      %mul3A_51 = arith.constant 16 : i32
      %mul3A_52 = arith.muli %scan3A_44, %mul3A_51 : i32
      %get3A_53 = arith.constant 1 : i32
      %get3A_54 = arith.index_cast %get3A_53 : i32 to index
      %get3A_55 = arith.index_cast %mul3A_52 : i32 to index
      %get3A_56 = tpu.vector_load %arg6[%get3A_54, %get3A_55] {strides = array<i32>} : memref<3x512xf32, #tpu.memory_space<vmem>>, vector<1x16xf32>,
      %get3A_57 = vector.shape_cast %get3A_56 : vector<1x16xf32> to vector<16xf32>
      %mul3A_58 = arith.constant 16 : i32
      %mul3A_59 = arith.muli %scan3A_44, %mul3A_58 : i32
      %get3A_60 = arith.constant 2 : i32
      %get3A_61 = arith.index_cast %get3A_60 : i32 to index
      %get3A_62 = arith.index_cast %mul3A_59 : i32 to index
      %get3A_63 = tpu.vector_load %arg6[%get3A_61, %get3A_62] {strides = array<i32>} : memref<3x512xf32, #tpu.memory_space<vmem>>, vector<1x16xf32>,
      %get3A_64 = vector.shape_cast %get3A_63 : vector<1x16xf32> to vector<16xf32>
      %slice3A = vector.extract_strided_slice %get3A_50 {offsets = [0], sizes = [1], strides = [1]} : vector<16xf32> to vector<1xf32>
      %squeeze3A = vector.extract %slice3A[0] : f32 from vector<1xf32>
      %slice3A_65 = vector.extract_strided_slice %get3A_57 {offsets = [0], sizes = [1], strides = [1]} : vector<16xf32> to vector<1xf32>
      %squeeze3A_66 = vector.extract %slice3A_65[0] : f32 from vector<1xf32>
      %slice3A_67 = vector.extract_strided_slice %get3A_64 {offsets = [0], sizes = [1], strides = [1]} : vector<16xf32> to vector<1xf32>
      %squeeze3A_68 = vector.extract %slice3A_67[0] : f32 from vector<1xf32>
      %slice3A_69 = vector.extract_strided_slice %get3A_50 {offsets = [1], sizes = [1], strides = [1]} : vector<16xf32> to vector<1xf32>
      %squeeze3A_70 = vector.extract %slice3A_69[0] : f32 from vector<1xf32>
      %slice3A_71 = vector.extract_strided_slice %get3A_57 {offsets = [1], sizes = [1], strides = [1]} : vector<16xf32> to vector<1xf32>
      %squeeze3A_72 = vector.extract %slice3A_71[0] : f32 from vector<1xf32>
      %slice3A_73 = vector.extract_strided_slice %get3A_64 {offsets = [1], sizes = [1], strides = [1]} : vector<16xf32> to vector<1xf32>
      %squeeze3A_74 = vector.extract %slice3A_73[0] : f32 from vector<1xf32>
      %slice3A_75 = vector.extract_strided_slice %get3A_50 {offsets = [2], sizes = [1], strides = [1]} : vector<16xf32> to vector<1xf32>
      %squeeze3A_76 = vector.extract %slice3A_75[0] : f32 from vector<1xf32>
      %slice3A_77 = vector.extract_strided_slice %get3A_57 {offsets = [2], sizes = [1], strides = [1]} : vector<16xf32> to vector<1xf32>
      %squeeze3A_78 = vector.extract %slice3A_77[0] : f32 from vector<1xf32>
      %slice3A_79 = vector.extract_strided_slice %get3A_64 {offsets = [2], sizes = [1], strides = [1]} : vector<16xf32> to vector<1xf32>
      %squeeze3A_80 = vector.extract %slice3A_79[0] : f32 from vector<1xf32>
      %slice3A_81 = vector.extract_strided_slice %get3A_50 {offsets = [3], sizes = [1], strides = [1]} : vector<16xf32> to vector<1xf32>
      %squeeze3A_82 = vector.extract %slice3A_81[0] : f32 from vector<1xf32>
      %slice3A_83 = vector.extract_strided_slice %get3A_57 {offsets = [3], sizes = [1], strides = [1]} : vector<16xf32> to vector<1xf32>
      %squeeze3A_84 = vector.extract %slice3A_83[0] : f32 from vector<1xf32>
      %slice3A_85 = vector.extract_strided_slice %get3A_64 {offsets = [3], sizes = [1], strides = [1]} : vector<16xf32> to vector<1xf32>
      %squeeze3A_86 = vector.extract %slice3A_85[0] : f32 from vector<1xf32>
      %slice3A_87 = vector.extract_strided_slice %get3A_50 {offsets = [4], sizes = [1], strides = [1]} : vector<16xf32> to vector<1xf32>
      %squeeze3A_88 = vector.extract %slice3A_87[0] : f32 from vector<1xf32>
      %slice3A_89 = vector.extract_strided_slice %get3A_57 {offsets = [4], sizes = [1], strides = [1]} : vector<16xf32> to vector<1xf32>
      %squeeze3A_90 = vector.extract %slice3A_89[0] : f32 from vector<1xf32>
      %slice3A_91 = vector.extract_strided_slice %get3A_64 {offsets = [4], sizes = [1], strides = [1]} : vector<16xf32> to vector<1xf32>
      %squeeze3A_92 = vector.extract %slice3A_91[0] : f32 from vector<1xf32>
      %slice3A_93 = vector.extract_strided_slice %get3A_50 {offsets = [5], sizes = [1], strides = [1]} : vector<16xf32> to vector<1xf32>
      %squeeze3A_94 = vector.extract %slice3A_93[0] : f32 from vector<1xf32>
      %slice3A_95 = vector.extract_strided_slice %get3A_57 {offsets = [5], sizes = [1], strides = [1]} : vector<16xf32> to vector<1xf32>
      %squeeze3A_96 = vector.extract %slice3A_95[0] : f32 from vector<1xf32>
      %slice3A_97 = vector.extract_strided_slice %get3A_64 {offsets = [5], sizes = [1], strides = [1]} : vector<16xf32> to vector<1xf32>
      %squeeze3A_98 = vector.extract %slice3A_97[0] : f32 from vector<1xf32>
      %slice3A_99 = vector.extract_strided_slice %get3A_50 {offsets = [6], sizes = [1], strides = [1]} : vector<16xf32> to vector<1xf32>
      %squeeze3A_100 = vector.extract %slice3A_99[0] : f32 from vector<1xf32>
      %slice3A_101 = vector.extract_strided_slice %get3A_57 {offsets = [6], sizes = [1], strides = [1]} : vector<16xf32> to vector<1xf32>
      %squeeze3A_102 = vector.extract %slice3A_101[0] : f32 from vector<1xf32>
      %slice3A_103 = vector.extract_strided_slice %get3A_64 {offsets = [6], sizes = [1], strides = [1]} : vector<16xf32> to vector<1xf32>
      %squeeze3A_104 = vector.extract %slice3A_103[0] : f32 from vector<1xf32>
      %slice3A_105 = vector.extract_strided_slice %get3A_50 {offsets = [7], sizes = [1], strides = [1]} : vector<16xf32> to vector<1xf32>
      %squeeze3A_106 = vector.extract %slice3A_105[0] : f32 from vector<1xf32>
      %slice3A_107 = vector.extract_strided_slice %get3A_57 {offsets = [7], sizes = [1], strides = [1]} : vector<16xf32> to vector<1xf32>
      %squeeze3A_108 = vector.extract %slice3A_107[0] : f32 from vector<1xf32>
      %slice3A_109 = vector.extract_strided_slice %get3A_64 {offsets = [7], sizes = [1], strides = [1]} : vector<16xf32> to vector<1xf32>
      %squeeze3A_110 = vector.extract %slice3A_109[0] : f32 from vector<1xf32>
      %slice3A_111 = vector.extract_strided_slice %get3A_50 {offsets = [8], sizes = [1], strides = [1]} : vector<16xf32> to vector<1xf32>
      %squeeze3A_112 = vector.extract %slice3A_111[0] : f32 from vector<1xf32>
      %slice3A_113 = vector.extract_strided_slice %get3A_57 {offsets = [8], sizes = [1], strides = [1]} : vector<16xf32> to vector<1xf32>
      %squeeze3A_114 = vector.extract %slice3A_113[0] : f32 from vector<1xf32>
      %slice3A_115 = vector.extract_strided_slice %get3A_64 {offsets = [8], sizes = [1], strides = [1]} : vector<16xf32> to vector<1xf32>
      %squeeze3A_116 = vector.extract %slice3A_115[0] : f32 from vector<1xf32>
      %slice3A_117 = vector.extract_strided_slice %get3A_50 {offsets = [9], sizes = [1], strides = [1]} : vector<16xf32> to vector<1xf32>
      %squeeze3A_118 = vector.extract %slice3A_117[0] : f32 from vector<1xf32>
      %slice3A_119 = vector.extract_strided_slice %get3A_57 {offsets = [9], sizes = [1], strides = [1]} : vector<16xf32> to vector<1xf32>
      %squeeze3A_120 = vector.extract %slice3A_119[0] : f32 from vector<1xf32>
      %slice3A_121 = vector.extract_strided_slice %get3A_64 {offsets = [9], sizes = [1], strides = [1]} : vector<16xf32> to vector<1xf32>
      %squeeze3A_122 = vector.extract %slice3A_121[0] : f32 from vector<1xf32>
      %slice3A_123 = vector.extract_strided_slice %get3A_50 {offsets = [10], sizes = [1], strides = [1]} : vector<16xf32> to vector<1xf32>
      %squeeze3A_124 = vector.extract %slice3A_123[0] : f32 from vector<1xf32>
      %slice3A_125 = vector.extract_strided_slice %get3A_57 {offsets = [10], sizes = [1], strides = [1]} : vector<16xf32> to vector<1xf32>
      %squeeze3A_126 = vector.extract %slice3A_125[0] : f32 from vector<1xf32>
      %slice3A_127 = vector.extract_strided_slice %get3A_64 {offsets = [10], sizes = [1], strides = [1]} : vector<16xf32> to vector<1xf32>
      %squeeze3A_128 = vector.extract %slice3A_127[0] : f32 from vector<1xf32>
      %slice3A_129 = vector.extract_strided_slice %get3A_50 {offsets = [11], sizes = [1], strides = [1]} : vector<16xf32> to vector<1xf32>
      %squeeze3A_130 = vector.extract %slice3A_129[0] : f32 from vector<1xf32>
      %slice3A_131 = vector.extract_strided_slice %get3A_57 {offsets = [11], sizes = [1], strides = [1]} : vector<16xf32> to vector<1xf32>
      %squeeze3A_132 = vector.extract %slice3A_131[0] : f32 from vector<1xf32>
      %slice3A_133 = vector.extract_strided_slice %get3A_64 {offsets = [11], sizes = [1], strides = [1]} : vector<16xf32> to vector<1xf32>
      %squeeze3A_134 = vector.extract %slice3A_133[0] : f32 from vector<1xf32>
      %slice3A_135 = vector.extract_strided_slice %get3A_50 {offsets = [12], sizes = [1], strides = [1]} : vector<16xf32> to vector<1xf32>
      %squeeze3A_136 = vector.extract %slice3A_135[0] : f32 from vector<1xf32>
      %slice3A_137 = vector.extract_strided_slice %get3A_57 {offsets = [12], sizes = [1], strides = [1]} : vector<16xf32> to vector<1xf32>
      %squeeze3A_138 = vector.extract %slice3A_137[0] : f32 from vector<1xf32>
      %slice3A_139 = vector.extract_strided_slice %get3A_64 {offsets = [12], sizes = [1], strides = [1]} : vector<16xf32> to vector<1xf32>
      %squeeze3A_140 = vector.extract %slice3A_139[0] : f32 from vector<1xf32>
      %slice3A_141 = vector.extract_strided_slice %get3A_50 {offsets = [13], sizes = [1], strides = [1]} : vector<16xf32> to vector<1xf32>
      %squeeze3A_142 = vector.extract %slice3A_141[0] : f32 from vector<1xf32>
      %slice3A_143 = vector.extract_strided_slice %get3A_57 {offsets = [13], sizes = [1], strides = [1]} : vector<16xf32> to vector<1xf32>
      %squeeze3A_144 = vector.extract %slice3A_143[0] : f32 from vector<1xf32>
      %slice3A_145 = vector.extract_strided_slice %get3A_64 {offsets = [13], sizes = [1], strides = [1]} : vector<16xf32> to vector<1xf32>
      %squeeze3A_146 = vector.extract %slice3A_145[0] : f32 from vector<1xf32>
      %slice3A_147 = vector.extract_strided_slice %get3A_50 {offsets = [14], sizes = [1], strides = [1]} : vector<16xf32> to vector<1xf32>
      %squeeze3A_148 = vector.extract %slice3A_147[0] : f32 from vector<1xf32>
      %slice3A_149 = vector.extract_strided_slice %get3A_57 {offsets = [14], sizes = [1], strides = [1]} : vector<16xf32> to vector<1xf32>
      %squeeze3A_150 = vector.extract %slice3A_149[0] : f32 from vector<1xf32>
      %slice3A_151 = vector.extract_strided_slice %get3A_64 {offsets = [14], sizes = [1], strides = [1]} : vector<16xf32> to vector<1xf32>
      %squeeze3A_152 = vector.extract %slice3A_151[0] : f32 from vector<1xf32>
      %slice3A_153 = vector.extract_strided_slice %get3A_50 {offsets = [15], sizes = [1], strides = [1]} : vector<16xf32> to vector<1xf32>
      %squeeze3A_154 = vector.extract %slice3A_153[0] : f32 from vector<1xf32>
      %slice3A_155 = vector.extract_strided_slice %get3A_57 {offsets = [15], sizes = [1], strides = [1]} : vector<16xf32> to vector<1xf32>
      %squeeze3A_156 = vector.extract %slice3A_155[0] : f32 from vector<1xf32>
      %slice3A_157 = vector.extract_strided_slice %get3A_64 {offsets = [15], sizes = [1], strides = [1]} : vector<16xf32> to vector<1xf32>
      %squeeze3A_158 = vector.extract %slice3A_157[0] : f32 from vector<1xf32>
      %broadcast_in_dim3A = arith.constant 3.000000e+38 : f32
      %broadcast_in_dim3A_159 = vector.broadcast %broadcast_in_dim3A : f32 to vector<16xf32>
      %broadcast_in_dim3A_160 = arith.constant 3.000000e+38 : f32
      %broadcast_in_dim3A_161 = vector.broadcast %broadcast_in_dim3A_160 : f32 to vector<16xf32>
      %broadcast_in_dim3A_162 = arith.constant 3.000000e+38 : f32
      %broadcast_in_dim3A_163 = vector.broadcast %broadcast_in_dim3A_162 : f32 to vector<16xf32>
      %broadcast_in_dim3A_164 = arith.constant 3.000000e+38 : f32
      %broadcast_in_dim3A_165 = vector.broadcast %broadcast_in_dim3A_164 : f32 to vector<16xf32>
      %broadcast_in_dim3A_166 = arith.constant 3.000000e+38 : f32
      %broadcast_in_dim3A_167 = vector.broadcast %broadcast_in_dim3A_166 : f32 to vector<16xf32>
      %broadcast_in_dim3A_168 = arith.constant 3.000000e+38 : f32
      %broadcast_in_dim3A_169 = vector.broadcast %broadcast_in_dim3A_168 : f32 to vector<16xf32>
      %broadcast_in_dim3A_170 = arith.constant 3.000000e+38 : f32
      %broadcast_in_dim3A_171 = vector.broadcast %broadcast_in_dim3A_170 : f32 to vector<16xf32>
      %broadcast_in_dim3A_172 = arith.constant 3.000000e+38 : f32
      %broadcast_in_dim3A_173 = vector.broadcast %broadcast_in_dim3A_172 : f32 to vector<16xf32>
      %broadcast_in_dim3A_174 = arith.constant 3.000000e+38 : f32
      %broadcast_in_dim3A_175 = vector.broadcast %broadcast_in_dim3A_174 : f32 to vector<16xf32>
      %broadcast_in_dim3A_176 = arith.constant 3.000000e+38 : f32
      %broadcast_in_dim3A_177 = vector.broadcast %broadcast_in_dim3A_176 : f32 to vector<16xf32>
      %broadcast_in_dim3A_178 = arith.constant 3.000000e+38 : f32
      %broadcast_in_dim3A_179 = vector.broadcast %broadcast_in_dim3A_178 : f32 to vector<16xf32>
      %broadcast_in_dim3A_180 = arith.constant 3.000000e+38 : f32
      %broadcast_in_dim3A_181 = vector.broadcast %broadcast_in_dim3A_180 : f32 to vector<16xf32>
      %broadcast_in_dim3A_182 = arith.constant 3.000000e+38 : f32
      %broadcast_in_dim3A_183 = vector.broadcast %broadcast_in_dim3A_182 : f32 to vector<16xf32>
      %broadcast_in_dim3A_184 = arith.constant 3.000000e+38 : f32
      %broadcast_in_dim3A_185 = vector.broadcast %broadcast_in_dim3A_184 : f32 to vector<16xf32>
      %broadcast_in_dim3A_186 = arith.constant 3.000000e+38 : f32
      %broadcast_in_dim3A_187 = vector.broadcast %broadcast_in_dim3A_186 : f32 to vector<16xf32>
      %broadcast_in_dim3A_188 = arith.constant 3.000000e+38 : f32
      %broadcast_in_dim3A_189 = vector.broadcast %broadcast_in_dim3A_188 : f32 to vector<16xf32>
      %scan3A_190 = arith.constant 0 : i32
      %scan3A_191 = arith.constant 256 : i32
      %scan3A_192 = arith.addi %scan3A_190, %scan3A_191 : i32
      %scan3A_193 = arith.constant 1 : i32
      %scan3A_194:16 = scf.for %scan3A_712 = %scan3A_190 to %scan3A_192 step %scan3A_193 iter_args(%scan3A_713 = %broadcast_in_dim3A_159, %scan3A_714 = %broadcast_in_dim3A_161, %scan3A_715 = %broadcast_in_dim3A_163, %scan3A_716 = %broadcast_in_dim3A_165, %scan3A_717 = %broadcast_in_dim3A_167, %scan3A_718 = %broadcast_in_dim3A_169, %scan3A_719 = %broadcast_in_dim3A_171, %scan3A_720 = %broadcast_in_dim3A_173, %scan3A_721 = %broadcast_in_dim3A_175, %scan3A_722 = %broadcast_in_dim3A_177, %scan3A_723 = %broadcast_in_dim3A_179, %scan3A_724 = %broadcast_in_dim3A_181, %scan3A_725 = %broadcast_in_dim3A_183, %scan3A_726 = %broadcast_in_dim3A_185, %scan3A_727 = %broadcast_in_dim3A_187, %scan3A_728 = %broadcast_in_dim3A_189) -> (vector<16xf32>, vector<16xf32>, vector<16xf32>, vector<16xf32>, vector<16xf32>, vector<16xf32>, vector<16xf32>, vector<16xf32>, vector<16xf32>, vector<16xf32>, vector<16xf32>, vector<16xf32>, vector<16xf32>, vector<16xf32>, vector<16xf32>, vector<16xf32>)  : i32 {
        %mul3A_729 = arith.constant 16 : i32
        %mul3A_730 = arith.muli %scan3A_712, %mul3A_729 : i32
        %get3A_731 = arith.constant 0 : i32
        %get3A_732 = arith.index_cast %get3A_731 : i32 to index
        %get3A_733 = arith.index_cast %mul3A_730 : i32 to index
        %get3A_734 = tpu.vector_load %arg7[%get3A_732, %get3A_733] {strides = array<i32>} : memref<3x4096xf32, #tpu.memory_space<vmem>>, vector<1x16xf32>,
        %get3A_735 = vector.shape_cast %get3A_734 : vector<1x16xf32> to vector<16xf32>
        %mul3A_736 = arith.constant 16 : i32
        %mul3A_737 = arith.muli %scan3A_712, %mul3A_736 : i32
        %get3A_738 = arith.constant 1 : i32
        %get3A_739 = arith.index_cast %get3A_738 : i32 to index
        %get3A_740 = arith.index_cast %mul3A_737 : i32 to index
        %get3A_741 = tpu.vector_load %arg7[%get3A_739, %get3A_740] {strides = array<i32>} : memref<3x4096xf32, #tpu.memory_space<vmem>>, vector<1x16xf32>,
        %get3A_742 = vector.shape_cast %get3A_741 : vector<1x16xf32> to vector<16xf32>
        %mul3A_743 = arith.constant 16 : i32
        %mul3A_744 = arith.muli %scan3A_712, %mul3A_743 : i32
        %get3A_745 = arith.constant 2 : i32
        %get3A_746 = arith.index_cast %get3A_745 : i32 to index
        %get3A_747 = arith.index_cast %mul3A_744 : i32 to index
        %get3A_748 = tpu.vector_load %arg7[%get3A_746, %get3A_747] {strides = array<i32>} : memref<3x4096xf32, #tpu.memory_space<vmem>>, vector<1x16xf32>,
        %get3A_749 = vector.shape_cast %get3A_748 : vector<1x16xf32> to vector<16xf32>
        %mul3A_750 = arith.constant 16 : i32
        %mul3A_751 = arith.muli %scan3A_712, %mul3A_750 : i32
        %get3A_752 = arith.index_cast %mul3A_751 : i32 to index
        %get3A_753 = tpu.vector_load %arg9[%get3A_752] {strides = array<i32>} : memref<4096xf32, #tpu.memory_space<vmem>>, vector<16xf32>,
        %get3A_754 = vector.shape_cast %get3A_753 : vector<16xf32> to vector<16xf32>
        %sub3A_755 = vector.broadcast %squeeze3A : f32 to vector<16xf32>
        %sub3A_756 = arith.subf %sub3A_755, %get3A_735 : vector<16xf32>
        %sub3A_757 = vector.broadcast %squeeze3A_66 : f32 to vector<16xf32>
        %sub3A_758 = arith.subf %sub3A_757, %get3A_742 : vector<16xf32>
        %sub3A_759 = vector.broadcast %squeeze3A_68 : f32 to vector<16xf32>
        %sub3A_760 = arith.subf %sub3A_759, %get3A_749 : vector<16xf32>
        %mul3A_761 = arith.mulf %sub3A_756, %sub3A_756 : vector<16xf32>
        %mul3A_762 = arith.mulf %sub3A_758, %sub3A_758 : vector<16xf32>
        %add3A_763 = arith.addf %mul3A_761, %mul3A_762 : vector<16xf32>
        %mul3A_764 = arith.mulf %sub3A_760, %sub3A_760 : vector<16xf32>
        %add3A_765 = arith.addf %add3A_763, %mul3A_764 : vector<16xf32>
        %min3A_766 = arith.minimumf %get3A_754, %add3A_765 : vector<16xf32>
        %min3A_767 = arith.minimumf %scan3A_713, %add3A_765 : vector<16xf32>
        %sub3A_768 = vector.broadcast %squeeze3A_70 : f32 to vector<16xf32>
        %sub3A_769 = arith.subf %sub3A_768, %get3A_735 : vector<16xf32>
        %sub3A_770 = vector.broadcast %squeeze3A_72 : f32 to vector<16xf32>
        %sub3A_771 = arith.subf %sub3A_770, %get3A_742 : vector<16xf32>
        %sub3A_772 = vector.broadcast %squeeze3A_74 : f32 to vector<16xf32>
        %sub3A_773 = arith.subf %sub3A_772, %get3A_749 : vector<16xf32>
        %mul3A_774 = arith.mulf %sub3A_769, %sub3A_769 : vector<16xf32>
        %mul3A_775 = arith.mulf %sub3A_771, %sub3A_771 : vector<16xf32>
        %add3A_776 = arith.addf %mul3A_774, %mul3A_775 : vector<16xf32>
        %mul3A_777 = arith.mulf %sub3A_773, %sub3A_773 : vector<16xf32>
        %add3A_778 = arith.addf %add3A_776, %mul3A_777 : vector<16xf32>
        %min3A_779 = arith.minimumf %min3A_766, %add3A_778 : vector<16xf32>
        %min3A_780 = arith.minimumf %scan3A_714, %add3A_778 : vector<16xf32>
        %sub3A_781 = vector.broadcast %squeeze3A_76 : f32 to vector<16xf32>
        %sub3A_782 = arith.subf %sub3A_781, %get3A_735 : vector<16xf32>
        %sub3A_783 = vector.broadcast %squeeze3A_78 : f32 to vector<16xf32>
        %sub3A_784 = arith.subf %sub3A_783, %get3A_742 : vector<16xf32>
        %sub3A_785 = vector.broadcast %squeeze3A_80 : f32 to vector<16xf32>
        %sub3A_786 = arith.subf %sub3A_785, %get3A_749 : vector<16xf32>
        %mul3A_787 = arith.mulf %sub3A_782, %sub3A_782 : vector<16xf32>
        %mul3A_788 = arith.mulf %sub3A_784, %sub3A_784 : vector<16xf32>
        %add3A_789 = arith.addf %mul3A_787, %mul3A_788 : vector<16xf32>
        %mul3A_790 = arith.mulf %sub3A_786, %sub3A_786 : vector<16xf32>
        %add3A_791 = arith.addf %add3A_789, %mul3A_790 : vector<16xf32>
        %min3A_792 = arith.minimumf %min3A_779, %add3A_791 : vector<16xf32>
        %min3A_793 = arith.minimumf %scan3A_715, %add3A_791 : vector<16xf32>
        %sub3A_794 = vector.broadcast %squeeze3A_82 : f32 to vector<16xf32>
        %sub3A_795 = arith.subf %sub3A_794, %get3A_735 : vector<16xf32>
        %sub3A_796 = vector.broadcast %squeeze3A_84 : f32 to vector<16xf32>
        %sub3A_797 = arith.subf %sub3A_796, %get3A_742 : vector<16xf32>
        %sub3A_798 = vector.broadcast %squeeze3A_86 : f32 to vector<16xf32>
        %sub3A_799 = arith.subf %sub3A_798, %get3A_749 : vector<16xf32>
        %mul3A_800 = arith.mulf %sub3A_795, %sub3A_795 : vector<16xf32>
        %mul3A_801 = arith.mulf %sub3A_797, %sub3A_797 : vector<16xf32>
        %add3A_802 = arith.addf %mul3A_800, %mul3A_801 : vector<16xf32>
        %mul3A_803 = arith.mulf %sub3A_799, %sub3A_799 : vector<16xf32>
        %add3A_804 = arith.addf %add3A_802, %mul3A_803 : vector<16xf32>
        %min3A_805 = arith.minimumf %min3A_792, %add3A_804 : vector<16xf32>
        %min3A_806 = arith.minimumf %scan3A_716, %add3A_804 : vector<16xf32>
        %sub3A_807 = vector.broadcast %squeeze3A_88 : f32 to vector<16xf32>
        %sub3A_808 = arith.subf %sub3A_807, %get3A_735 : vector<16xf32>
        %sub3A_809 = vector.broadcast %squeeze3A_90 : f32 to vector<16xf32>
        %sub3A_810 = arith.subf %sub3A_809, %get3A_742 : vector<16xf32>
        %sub3A_811 = vector.broadcast %squeeze3A_92 : f32 to vector<16xf32>
        %sub3A_812 = arith.subf %sub3A_811, %get3A_749 : vector<16xf32>
        %mul3A_813 = arith.mulf %sub3A_808, %sub3A_808 : vector<16xf32>
        %mul3A_814 = arith.mulf %sub3A_810, %sub3A_810 : vector<16xf32>
        %add3A_815 = arith.addf %mul3A_813, %mul3A_814 : vector<16xf32>
        %mul3A_816 = arith.mulf %sub3A_812, %sub3A_812 : vector<16xf32>
        %add3A_817 = arith.addf %add3A_815, %mul3A_816 : vector<16xf32>
        %min3A_818 = arith.minimumf %min3A_805, %add3A_817 : vector<16xf32>
        %min3A_819 = arith.minimumf %scan3A_717, %add3A_817 : vector<16xf32>
        %sub3A_820 = vector.broadcast %squeeze3A_94 : f32 to vector<16xf32>
        %sub3A_821 = arith.subf %sub3A_820, %get3A_735 : vector<16xf32>
        %sub3A_822 = vector.broadcast %squeeze3A_96 : f32 to vector<16xf32>
        %sub3A_823 = arith.subf %sub3A_822, %get3A_742 : vector<16xf32>
        %sub3A_824 = vector.broadcast %squeeze3A_98 : f32 to vector<16xf32>
        %sub3A_825 = arith.subf %sub3A_824, %get3A_749 : vector<16xf32>
        %mul3A_826 = arith.mulf %sub3A_821, %sub3A_821 : vector<16xf32>
        %mul3A_827 = arith.mulf %sub3A_823, %sub3A_823 : vector<16xf32>
        %add3A_828 = arith.addf %mul3A_826, %mul3A_827 : vector<16xf32>
        %mul3A_829 = arith.mulf %sub3A_825, %sub3A_825 : vector<16xf32>
        %add3A_830 = arith.addf %add3A_828, %mul3A_829 : vector<16xf32>
        %min3A_831 = arith.minimumf %min3A_818, %add3A_830 : vector<16xf32>
        %min3A_832 = arith.minimumf %scan3A_718, %add3A_830 : vector<16xf32>
        %sub3A_833 = vector.broadcast %squeeze3A_100 : f32 to vector<16xf32>
        %sub3A_834 = arith.subf %sub3A_833, %get3A_735 : vector<16xf32>
        %sub3A_835 = vector.broadcast %squeeze3A_102 : f32 to vector<16xf32>
        %sub3A_836 = arith.subf %sub3A_835, %get3A_742 : vector<16xf32>
        %sub3A_837 = vector.broadcast %squeeze3A_104 : f32 to vector<16xf32>
        %sub3A_838 = arith.subf %sub3A_837, %get3A_749 : vector<16xf32>
        %mul3A_839 = arith.mulf %sub3A_834, %sub3A_834 : vector<16xf32>
        %mul3A_840 = arith.mulf %sub3A_836, %sub3A_836 : vector<16xf32>
        %add3A_841 = arith.addf %mul3A_839, %mul3A_840 : vector<16xf32>
        %mul3A_842 = arith.mulf %sub3A_838, %sub3A_838 : vector<16xf32>
        %add3A_843 = arith.addf %add3A_841, %mul3A_842 : vector<16xf32>
        %min3A_844 = arith.minimumf %min3A_831, %add3A_843 : vector<16xf32>
        %min3A_845 = arith.minimumf %scan3A_719, %add3A_843 : vector<16xf32>
        %sub3A_846 = vector.broadcast %squeeze3A_106 : f32 to vector<16xf32>
        %sub3A_847 = arith.subf %sub3A_846, %get3A_735 : vector<16xf32>
        %sub3A_848 = vector.broadcast %squeeze3A_108 : f32 to vector<16xf32>
        %sub3A_849 = arith.subf %sub3A_848, %get3A_742 : vector<16xf32>
        %sub3A_850 = vector.broadcast %squeeze3A_110 : f32 to vector<16xf32>
        %sub3A_851 = arith.subf %sub3A_850, %get3A_749 : vector<16xf32>
        %mul3A_852 = arith.mulf %sub3A_847, %sub3A_847 : vector<16xf32>
        %mul3A_853 = arith.mulf %sub3A_849, %sub3A_849 : vector<16xf32>
        %add3A_854 = arith.addf %mul3A_852, %mul3A_853 : vector<16xf32>
        %mul3A_855 = arith.mulf %sub3A_851, %sub3A_851 : vector<16xf32>
        %add3A_856 = arith.addf %add3A_854, %mul3A_855 : vector<16xf32>
        %min3A_857 = arith.minimumf %min3A_844, %add3A_856 : vector<16xf32>
        %min3A_858 = arith.minimumf %scan3A_720, %add3A_856 : vector<16xf32>
        %sub3A_859 = vector.broadcast %squeeze3A_112 : f32 to vector<16xf32>
        %sub3A_860 = arith.subf %sub3A_859, %get3A_735 : vector<16xf32>
        %sub3A_861 = vector.broadcast %squeeze3A_114 : f32 to vector<16xf32>
        %sub3A_862 = arith.subf %sub3A_861, %get3A_742 : vector<16xf32>
        %sub3A_863 = vector.broadcast %squeeze3A_116 : f32 to vector<16xf32>
        %sub3A_864 = arith.subf %sub3A_863, %get3A_749 : vector<16xf32>
        %mul3A_865 = arith.mulf %sub3A_860, %sub3A_860 : vector<16xf32>
        %mul3A_866 = arith.mulf %sub3A_862, %sub3A_862 : vector<16xf32>
        %add3A_867 = arith.addf %mul3A_865, %mul3A_866 : vector<16xf32>
        %mul3A_868 = arith.mulf %sub3A_864, %sub3A_864 : vector<16xf32>
        %add3A_869 = arith.addf %add3A_867, %mul3A_868 : vector<16xf32>
        %min3A_870 = arith.minimumf %min3A_857, %add3A_869 : vector<16xf32>
        %min3A_871 = arith.minimumf %scan3A_721, %add3A_869 : vector<16xf32>
        %sub3A_872 = vector.broadcast %squeeze3A_118 : f32 to vector<16xf32>
        %sub3A_873 = arith.subf %sub3A_872, %get3A_735 : vector<16xf32>
        %sub3A_874 = vector.broadcast %squeeze3A_120 : f32 to vector<16xf32>
        %sub3A_875 = arith.subf %sub3A_874, %get3A_742 : vector<16xf32>
        %sub3A_876 = vector.broadcast %squeeze3A_122 : f32 to vector<16xf32>
        %sub3A_877 = arith.subf %sub3A_876, %get3A_749 : vector<16xf32>
        %mul3A_878 = arith.mulf %sub3A_873, %sub3A_873 : vector<16xf32>
        %mul3A_879 = arith.mulf %sub3A_875, %sub3A_875 : vector<16xf32>
        %add3A_880 = arith.addf %mul3A_878, %mul3A_879 : vector<16xf32>
        %mul3A_881 = arith.mulf %sub3A_877, %sub3A_877 : vector<16xf32>
        %add3A_882 = arith.addf %add3A_880, %mul3A_881 : vector<16xf32>
        %min3A_883 = arith.minimumf %min3A_870, %add3A_882 : vector<16xf32>
        %min3A_884 = arith.minimumf %scan3A_722, %add3A_882 : vector<16xf32>
        %sub3A_885 = vector.broadcast %squeeze3A_124 : f32 to vector<16xf32>
        %sub3A_886 = arith.subf %sub3A_885, %get3A_735 : vector<16xf32>
        %sub3A_887 = vector.broadcast %squeeze3A_126 : f32 to vector<16xf32>
        %sub3A_888 = arith.subf %sub3A_887, %get3A_742 : vector<16xf32>
        %sub3A_889 = vector.broadcast %squeeze3A_128 : f32 to vector<16xf32>
        %sub3A_890 = arith.subf %sub3A_889, %get3A_749 : vector<16xf32>
        %mul3A_891 = arith.mulf %sub3A_886, %sub3A_886 : vector<16xf32>
        %mul3A_892 = arith.mulf %sub3A_888, %sub3A_888 : vector<16xf32>
        %add3A_893 = arith.addf %mul3A_891, %mul3A_892 : vector<16xf32>
        %mul3A_894 = arith.mulf %sub3A_890, %sub3A_890 : vector<16xf32>
        %add3A_895 = arith.addf %add3A_893, %mul3A_894 : vector<16xf32>
        %min3A_896 = arith.minimumf %min3A_883, %add3A_895 : vector<16xf32>
        %min3A_897 = arith.minimumf %scan3A_723, %add3A_895 : vector<16xf32>
        %sub3A_898 = vector.broadcast %squeeze3A_130 : f32 to vector<16xf32>
        %sub3A_899 = arith.subf %sub3A_898, %get3A_735 : vector<16xf32>
        %sub3A_900 = vector.broadcast %squeeze3A_132 : f32 to vector<16xf32>
        %sub3A_901 = arith.subf %sub3A_900, %get3A_742 : vector<16xf32>
        %sub3A_902 = vector.broadcast %squeeze3A_134 : f32 to vector<16xf32>
        %sub3A_903 = arith.subf %sub3A_902, %get3A_749 : vector<16xf32>
        %mul3A_904 = arith.mulf %sub3A_899, %sub3A_899 : vector<16xf32>
        %mul3A_905 = arith.mulf %sub3A_901, %sub3A_901 : vector<16xf32>
        %add3A_906 = arith.addf %mul3A_904, %mul3A_905 : vector<16xf32>
        %mul3A_907 = arith.mulf %sub3A_903, %sub3A_903 : vector<16xf32>
        %add3A_908 = arith.addf %add3A_906, %mul3A_907 : vector<16xf32>
        %min3A_909 = arith.minimumf %min3A_896, %add3A_908 : vector<16xf32>
        %min3A_910 = arith.minimumf %scan3A_724, %add3A_908 : vector<16xf32>
        %sub3A_911 = vector.broadcast %squeeze3A_136 : f32 to vector<16xf32>
        %sub3A_912 = arith.subf %sub3A_911, %get3A_735 : vector<16xf32>
        %sub3A_913 = vector.broadcast %squeeze3A_138 : f32 to vector<16xf32>
        %sub3A_914 = arith.subf %sub3A_913, %get3A_742 : vector<16xf32>
        %sub3A_915 = vector.broadcast %squeeze3A_140 : f32 to vector<16xf32>
        %sub3A_916 = arith.subf %sub3A_915, %get3A_749 : vector<16xf32>
        %mul3A_917 = arith.mulf %sub3A_912, %sub3A_912 : vector<16xf32>
        %mul3A_918 = arith.mulf %sub3A_914, %sub3A_914 : vector<16xf32>
        %add3A_919 = arith.addf %mul3A_917, %mul3A_918 : vector<16xf32>
        %mul3A_920 = arith.mulf %sub3A_916, %sub3A_916 : vector<16xf32>
        %add3A_921 = arith.addf %add3A_919, %mul3A_920 : vector<16xf32>
        %min3A_922 = arith.minimumf %min3A_909, %add3A_921 : vector<16xf32>
        %min3A_923 = arith.minimumf %scan3A_725, %add3A_921 : vector<16xf32>
        %sub3A_924 = vector.broadcast %squeeze3A_142 : f32 to vector<16xf32>
        %sub3A_925 = arith.subf %sub3A_924, %get3A_735 : vector<16xf32>
        %sub3A_926 = vector.broadcast %squeeze3A_144 : f32 to vector<16xf32>
        %sub3A_927 = arith.subf %sub3A_926, %get3A_742 : vector<16xf32>
        %sub3A_928 = vector.broadcast %squeeze3A_146 : f32 to vector<16xf32>
        %sub3A_929 = arith.subf %sub3A_928, %get3A_749 : vector<16xf32>
        %mul3A_930 = arith.mulf %sub3A_925, %sub3A_925 : vector<16xf32>
        %mul3A_931 = arith.mulf %sub3A_927, %sub3A_927 : vector<16xf32>
        %add3A_932 = arith.addf %mul3A_930, %mul3A_931 : vector<16xf32>
        %mul3A_933 = arith.mulf %sub3A_929, %sub3A_929 : vector<16xf32>
        %add3A_934 = arith.addf %add3A_932, %mul3A_933 : vector<16xf32>
        %min3A_935 = arith.minimumf %min3A_922, %add3A_934 : vector<16xf32>
        %min3A_936 = arith.minimumf %scan3A_726, %add3A_934 : vector<16xf32>
        %sub3A_937 = vector.broadcast %squeeze3A_148 : f32 to vector<16xf32>
        %sub3A_938 = arith.subf %sub3A_937, %get3A_735 : vector<16xf32>
        %sub3A_939 = vector.broadcast %squeeze3A_150 : f32 to vector<16xf32>
        %sub3A_940 = arith.subf %sub3A_939, %get3A_742 : vector<16xf32>
        %sub3A_941 = vector.broadcast %squeeze3A_152 : f32 to vector<16xf32>
        %sub3A_942 = arith.subf %sub3A_941, %get3A_749 : vector<16xf32>
        %mul3A_943 = arith.mulf %sub3A_938, %sub3A_938 : vector<16xf32>
        %mul3A_944 = arith.mulf %sub3A_940, %sub3A_940 : vector<16xf32>
        %add3A_945 = arith.addf %mul3A_943, %mul3A_944 : vector<16xf32>
        %mul3A_946 = arith.mulf %sub3A_942, %sub3A_942 : vector<16xf32>
        %add3A_947 = arith.addf %add3A_945, %mul3A_946 : vector<16xf32>
        %min3A_948 = arith.minimumf %min3A_935, %add3A_947 : vector<16xf32>
        %min3A_949 = arith.minimumf %scan3A_727, %add3A_947 : vector<16xf32>
        %sub3A_950 = vector.broadcast %squeeze3A_154 : f32 to vector<16xf32>
        %sub3A_951 = arith.subf %sub3A_950, %get3A_735 : vector<16xf32>
        %sub3A_952 = vector.broadcast %squeeze3A_156 : f32 to vector<16xf32>
        %sub3A_953 = arith.subf %sub3A_952, %get3A_742 : vector<16xf32>
        %sub3A_954 = vector.broadcast %squeeze3A_158 : f32 to vector<16xf32>
        %sub3A_955 = arith.subf %sub3A_954, %get3A_749 : vector<16xf32>
        %mul3A_956 = arith.mulf %sub3A_951, %sub3A_951 : vector<16xf32>
        %mul3A_957 = arith.mulf %sub3A_953, %sub3A_953 : vector<16xf32>
        %add3A_958 = arith.addf %mul3A_956, %mul3A_957 : vector<16xf32>
        %mul3A_959 = arith.mulf %sub3A_955, %sub3A_955 : vector<16xf32>
        %add3A_960 = arith.addf %add3A_958, %mul3A_959 : vector<16xf32>
        %min3A_961 = arith.minimumf %min3A_948, %add3A_960 : vector<16xf32>
        %min3A_962 = arith.minimumf %scan3A_728, %add3A_960 : vector<16xf32>
        %mul3A_963 = arith.constant 16 : i32
        %mul3A_964 = arith.muli %scan3A_712, %mul3A_963 : i32
        %swap3A_965 = arith.index_cast %mul3A_964 : i32 to index
        %swap3A_966 = tpu.vector_load %arg9[%swap3A_965] {strides = array<i32>} : memref<4096xf32, #tpu.memory_space<vmem>>, vector<16xf32>,
        %swap3A_967 = vector.shape_cast %swap3A_966 : vector<16xf32> to vector<16xf32>
        %swap3A_968 = vector.shape_cast %min3A_961 : vector<16xf32> to vector<16xf32>
        tpu.vector_store %arg9[%swap3A_965], %swap3A_968 {strides = array<i32>} : memref<4096xf32, #tpu.memory_space<vmem>>, vector<16xf32>,
        scf.yield %min3A_767, %min3A_780, %min3A_793, %min3A_806, %min3A_819, %min3A_832, %min3A_845, %min3A_858, %min3A_871, %min3A_884, %min3A_897, %min3A_910, %min3A_923, %min3A_936, %min3A_949, %min3A_962 : vector<16xf32>, vector<16xf32>, vector<16xf32>, vector<16xf32>, vector<16xf32>, vector<16xf32>, vector<16xf32>, vector<16xf32>, vector<16xf32>, vector<16xf32>, vector<16xf32>, vector<16xf32>, vector<16xf32>, vector<16xf32>, vector<16xf32>, vector<16xf32>
      }
      %scan3A_195 = arith.constant 256 : i32
      %broadcast_in_dim3A_196 = arith.constant 3.000000e+38 : f32
      %broadcast_in_dim3A_197 = vector.broadcast %broadcast_in_dim3A_196 : f32 to vector<16xf32>
      %xor3A = arith.constant 8 : i32
      %xor3A_198 = vector.broadcast %xor3A : i32 to vector<16xi32>
      %xor3A_199 = arith.xori %iota3A, %xor3A_198 : vector<16xi32>
      %broadcast_in_dim3A_200 = vector.shape_cast %xor3A_199 : vector<16xi32> to vector<16x1xi32>
      %gather3A = vector.shape_cast %broadcast_in_dim3A_200 : vector<16x1xi32> to vector<16xi32>
      %gather3A_201 = tpu.dynamic_gather %scan3A_194#0[%gather3A] in [0] : vector<16xf32>, vector<16xi32> -> vector<16xf32>
      %min3A = arith.minimumf %scan3A_194#0, %gather3A_201 : vector<16xf32>
      %xor3A_202 = arith.constant 4 : i32
      %xor3A_203 = vector.broadcast %xor3A_202 : i32 to vector<16xi32>
      %xor3A_204 = arith.xori %iota3A, %xor3A_203 : vector<16xi32>
      %broadcast_in_dim3A_205 = vector.shape_cast %xor3A_204 : vector<16xi32> to vector<16x1xi32>
      %gather3A_206 = vector.shape_cast %broadcast_in_dim3A_205 : vector<16x1xi32> to vector<16xi32>
      %gather3A_207 = tpu.dynamic_gather %min3A[%gather3A_206] in [0] : vector<16xf32>, vector<16xi32> -> vector<16xf32>
      %min3A_208 = arith.minimumf %min3A, %gather3A_207 : vector<16xf32>
      %xor3A_209 = arith.constant 2 : i32
      %xor3A_210 = vector.broadcast %xor3A_209 : i32 to vector<16xi32>
      %xor3A_211 = arith.xori %iota3A, %xor3A_210 : vector<16xi32>
      %broadcast_in_dim3A_212 = vector.shape_cast %xor3A_211 : vector<16xi32> to vector<16x1xi32>
      %gather3A_213 = vector.shape_cast %broadcast_in_dim3A_212 : vector<16x1xi32> to vector<16xi32>
      %gather3A_214 = tpu.dynamic_gather %min3A_208[%gather3A_213] in [0] : vector<16xf32>, vector<16xi32> -> vector<16xf32>
      %min3A_215 = arith.minimumf %min3A_208, %gather3A_214 : vector<16xf32>
      %xor3A_216 = arith.constant 1 : i32
      %xor3A_217 = vector.broadcast %xor3A_216 : i32 to vector<16xi32>
      %xor3A_218 = arith.xori %iota3A, %xor3A_217 : vector<16xi32>
      %broadcast_in_dim3A_219 = vector.shape_cast %xor3A_218 : vector<16xi32> to vector<16x1xi32>
      %gather3A_220 = vector.shape_cast %broadcast_in_dim3A_219 : vector<16x1xi32> to vector<16xi32>
      %gather3A_221 = tpu.dynamic_gather %min3A_215[%gather3A_220] in [0] : vector<16xf32>, vector<16xi32> -> vector<16xf32>
      %min3A_222 = arith.minimumf %min3A_215, %gather3A_221 : vector<16xf32>
      %eq3A_223 = arith.constant 0 : i32
      %eq3A_224 = vector.broadcast %eq3A_223 : i32 to vector<16xi32>
      %eq3A_225 = arith.cmpi eq, %iota3A, %eq3A_224 : vector<16xi32>
      %select_n3A_226 = arith.select %eq3A_225, %min3A_222, %broadcast_in_dim3A_197 : vector<16xi1>, vector<16xf32>
      %xor3A_227 = arith.constant 8 : i32
      %xor3A_228 = vector.broadcast %xor3A_227 : i32 to vector<16xi32>
      %xor3A_229 = arith.xori %iota3A, %xor3A_228 : vector<16xi32>
      %broadcast_in_dim3A_230 = vector.shape_cast %xor3A_229 : vector<16xi32> to vector<16x1xi32>
      %gather3A_231 = vector.shape_cast %broadcast_in_dim3A_230 : vector<16x1xi32> to vector<16xi32>
      %gather3A_232 = tpu.dynamic_gather %scan3A_194#1[%gather3A_231] in [0] : vector<16xf32>, vector<16xi32> -> vector<16xf32>
      %min3A_233 = arith.minimumf %scan3A_194#1, %gather3A_232 : vector<16xf32>
      %xor3A_234 = arith.constant 4 : i32
      %xor3A_235 = vector.broadcast %xor3A_234 : i32 to vector<16xi32>
      %xor3A_236 = arith.xori %iota3A, %xor3A_235 : vector<16xi32>
      %broadcast_in_dim3A_237 = vector.shape_cast %xor3A_236 : vector<16xi32> to vector<16x1xi32>
      %gather3A_238 = vector.shape_cast %broadcast_in_dim3A_237 : vector<16x1xi32> to vector<16xi32>
      %gather3A_239 = tpu.dynamic_gather %min3A_233[%gather3A_238] in [0] : vector<16xf32>, vector<16xi32> -> vector<16xf32>
      %min3A_240 = arith.minimumf %min3A_233, %gather3A_239 : vector<16xf32>
      %xor3A_241 = arith.constant 2 : i32
      %xor3A_242 = vector.broadcast %xor3A_241 : i32 to vector<16xi32>
      %xor3A_243 = arith.xori %iota3A, %xor3A_242 : vector<16xi32>
      %broadcast_in_dim3A_244 = vector.shape_cast %xor3A_243 : vector<16xi32> to vector<16x1xi32>
      %gather3A_245 = vector.shape_cast %broadcast_in_dim3A_244 : vector<16x1xi32> to vector<16xi32>
      %gather3A_246 = tpu.dynamic_gather %min3A_240[%gather3A_245] in [0] : vector<16xf32>, vector<16xi32> -> vector<16xf32>
      %min3A_247 = arith.minimumf %min3A_240, %gather3A_246 : vector<16xf32>
      %xor3A_248 = arith.constant 1 : i32
      %xor3A_249 = vector.broadcast %xor3A_248 : i32 to vector<16xi32>
      %xor3A_250 = arith.xori %iota3A, %xor3A_249 : vector<16xi32>
      %broadcast_in_dim3A_251 = vector.shape_cast %xor3A_250 : vector<16xi32> to vector<16x1xi32>
      %gather3A_252 = vector.shape_cast %broadcast_in_dim3A_251 : vector<16x1xi32> to vector<16xi32>
      %gather3A_253 = tpu.dynamic_gather %min3A_247[%gather3A_252] in [0] : vector<16xf32>, vector<16xi32> -> vector<16xf32>
      %min3A_254 = arith.minimumf %min3A_247, %gather3A_253 : vector<16xf32>
      %eq3A_255 = arith.constant 1 : i32
      %eq3A_256 = vector.broadcast %eq3A_255 : i32 to vector<16xi32>
      %eq3A_257 = arith.cmpi eq, %iota3A, %eq3A_256 : vector<16xi32>
      %select_n3A_258 = arith.select %eq3A_257, %min3A_254, %select_n3A_226 : vector<16xi1>, vector<16xf32>
      %xor3A_259 = arith.constant 8 : i32
      %xor3A_260 = vector.broadcast %xor3A_259 : i32 to vector<16xi32>
      %xor3A_261 = arith.xori %iota3A, %xor3A_260 : vector<16xi32>
      %broadcast_in_dim3A_262 = vector.shape_cast %xor3A_261 : vector<16xi32> to vector<16x1xi32>
      %gather3A_263 = vector.shape_cast %broadcast_in_dim3A_262 : vector<16x1xi32> to vector<16xi32>
      %gather3A_264 = tpu.dynamic_gather %scan3A_194#2[%gather3A_263] in [0] : vector<16xf32>, vector<16xi32> -> vector<16xf32>
      %min3A_265 = arith.minimumf %scan3A_194#2, %gather3A_264 : vector<16xf32>
      %xor3A_266 = arith.constant 4 : i32
      %xor3A_267 = vector.broadcast %xor3A_266 : i32 to vector<16xi32>
      %xor3A_268 = arith.xori %iota3A, %xor3A_267 : vector<16xi32>
      %broadcast_in_dim3A_269 = vector.shape_cast %xor3A_268 : vector<16xi32> to vector<16x1xi32>
      %gather3A_270 = vector.shape_cast %broadcast_in_dim3A_269 : vector<16x1xi32> to vector<16xi32>
      %gather3A_271 = tpu.dynamic_gather %min3A_265[%gather3A_270] in [0] : vector<16xf32>, vector<16xi32> -> vector<16xf32>
      %min3A_272 = arith.minimumf %min3A_265, %gather3A_271 : vector<16xf32>
      %xor3A_273 = arith.constant 2 : i32
      %xor3A_274 = vector.broadcast %xor3A_273 : i32 to vector<16xi32>
      %xor3A_275 = arith.xori %iota3A, %xor3A_274 : vector<16xi32>
      %broadcast_in_dim3A_276 = vector.shape_cast %xor3A_275 : vector<16xi32> to vector<16x1xi32>
      %gather3A_277 = vector.shape_cast %broadcast_in_dim3A_276 : vector<16x1xi32> to vector<16xi32>
      %gather3A_278 = tpu.dynamic_gather %min3A_272[%gather3A_277] in [0] : vector<16xf32>, vector<16xi32> -> vector<16xf32>
      %min3A_279 = arith.minimumf %min3A_272, %gather3A_278 : vector<16xf32>
      %xor3A_280 = arith.constant 1 : i32
      %xor3A_281 = vector.broadcast %xor3A_280 : i32 to vector<16xi32>
      %xor3A_282 = arith.xori %iota3A, %xor3A_281 : vector<16xi32>
      %broadcast_in_dim3A_283 = vector.shape_cast %xor3A_282 : vector<16xi32> to vector<16x1xi32>
      %gather3A_284 = vector.shape_cast %broadcast_in_dim3A_283 : vector<16x1xi32> to vector<16xi32>
      %gather3A_285 = tpu.dynamic_gather %min3A_279[%gather3A_284] in [0] : vector<16xf32>, vector<16xi32> -> vector<16xf32>
      %min3A_286 = arith.minimumf %min3A_279, %gather3A_285 : vector<16xf32>
      %eq3A_287 = arith.constant 2 : i32
      %eq3A_288 = vector.broadcast %eq3A_287 : i32 to vector<16xi32>
      %eq3A_289 = arith.cmpi eq, %iota3A, %eq3A_288 : vector<16xi32>
      %select_n3A_290 = arith.select %eq3A_289, %min3A_286, %select_n3A_258 : vector<16xi1>, vector<16xf32>
      %xor3A_291 = arith.constant 8 : i32
      %xor3A_292 = vector.broadcast %xor3A_291 : i32 to vector<16xi32>
      %xor3A_293 = arith.xori %iota3A, %xor3A_292 : vector<16xi32>
      %broadcast_in_dim3A_294 = vector.shape_cast %xor3A_293 : vector<16xi32> to vector<16x1xi32>
      %gather3A_295 = vector.shape_cast %broadcast_in_dim3A_294 : vector<16x1xi32> to vector<16xi32>
      %gather3A_296 = tpu.dynamic_gather %scan3A_194#3[%gather3A_295] in [0] : vector<16xf32>, vector<16xi32> -> vector<16xf32>
      %min3A_297 = arith.minimumf %scan3A_194#3, %gather3A_296 : vector<16xf32>
      %xor3A_298 = arith.constant 4 : i32
      %xor3A_299 = vector.broadcast %xor3A_298 : i32 to vector<16xi32>
      %xor3A_300 = arith.xori %iota3A, %xor3A_299 : vector<16xi32>
      %broadcast_in_dim3A_301 = vector.shape_cast %xor3A_300 : vector<16xi32> to vector<16x1xi32>
      %gather3A_302 = vector.shape_cast %broadcast_in_dim3A_301 : vector<16x1xi32> to vector<16xi32>
      %gather3A_303 = tpu.dynamic_gather %min3A_297[%gather3A_302] in [0] : vector<16xf32>, vector<16xi32> -> vector<16xf32>
      %min3A_304 = arith.minimumf %min3A_297, %gather3A_303 : vector<16xf32>
      %xor3A_305 = arith.constant 2 : i32
      %xor3A_306 = vector.broadcast %xor3A_305 : i32 to vector<16xi32>
      %xor3A_307 = arith.xori %iota3A, %xor3A_306 : vector<16xi32>
      %broadcast_in_dim3A_308 = vector.shape_cast %xor3A_307 : vector<16xi32> to vector<16x1xi32>
      %gather3A_309 = vector.shape_cast %broadcast_in_dim3A_308 : vector<16x1xi32> to vector<16xi32>
      %gather3A_310 = tpu.dynamic_gather %min3A_304[%gather3A_309] in [0] : vector<16xf32>, vector<16xi32> -> vector<16xf32>
      %min3A_311 = arith.minimumf %min3A_304, %gather3A_310 : vector<16xf32>
      %xor3A_312 = arith.constant 1 : i32
      %xor3A_313 = vector.broadcast %xor3A_312 : i32 to vector<16xi32>
      %xor3A_314 = arith.xori %iota3A, %xor3A_313 : vector<16xi32>
      %broadcast_in_dim3A_315 = vector.shape_cast %xor3A_314 : vector<16xi32> to vector<16x1xi32>
      %gather3A_316 = vector.shape_cast %broadcast_in_dim3A_315 : vector<16x1xi32> to vector<16xi32>
      %gather3A_317 = tpu.dynamic_gather %min3A_311[%gather3A_316] in [0] : vector<16xf32>, vector<16xi32> -> vector<16xf32>
      %min3A_318 = arith.minimumf %min3A_311, %gather3A_317 : vector<16xf32>
      %eq3A_319 = arith.constant 3 : i32
      %eq3A_320 = vector.broadcast %eq3A_319 : i32 to vector<16xi32>
      %eq3A_321 = arith.cmpi eq, %iota3A, %eq3A_320 : vector<16xi32>
      %select_n3A_322 = arith.select %eq3A_321, %min3A_318, %select_n3A_290 : vector<16xi1>, vector<16xf32>
      %xor3A_323 = arith.constant 8 : i32
      %xor3A_324 = vector.broadcast %xor3A_323 : i32 to vector<16xi32>
      %xor3A_325 = arith.xori %iota3A, %xor3A_324 : vector<16xi32>
      %broadcast_in_dim3A_326 = vector.shape_cast %xor3A_325 : vector<16xi32> to vector<16x1xi32>
      %gather3A_327 = vector.shape_cast %broadcast_in_dim3A_326 : vector<16x1xi32> to vector<16xi32>
      %gather3A_328 = tpu.dynamic_gather %scan3A_194#4[%gather3A_327] in [0] : vector<16xf32>, vector<16xi32> -> vector<16xf32>
      %min3A_329 = arith.minimumf %scan3A_194#4, %gather3A_328 : vector<16xf32>
      %xor3A_330 = arith.constant 4 : i32
      %xor3A_331 = vector.broadcast %xor3A_330 : i32 to vector<16xi32>
      %xor3A_332 = arith.xori %iota3A, %xor3A_331 : vector<16xi32>
      %broadcast_in_dim3A_333 = vector.shape_cast %xor3A_332 : vector<16xi32> to vector<16x1xi32>
      %gather3A_334 = vector.shape_cast %broadcast_in_dim3A_333 : vector<16x1xi32> to vector<16xi32>
      %gather3A_335 = tpu.dynamic_gather %min3A_329[%gather3A_334] in [0] : vector<16xf32>, vector<16xi32> -> vector<16xf32>
      %min3A_336 = arith.minimumf %min3A_329, %gather3A_335 : vector<16xf32>
      %xor3A_337 = arith.constant 2 : i32
      %xor3A_338 = vector.broadcast %xor3A_337 : i32 to vector<16xi32>
      %xor3A_339 = arith.xori %iota3A, %xor3A_338 : vector<16xi32>
      %broadcast_in_dim3A_340 = vector.shape_cast %xor3A_339 : vector<16xi32> to vector<16x1xi32>
      %gather3A_341 = vector.shape_cast %broadcast_in_dim3A_340 : vector<16x1xi32> to vector<16xi32>
      %gather3A_342 = tpu.dynamic_gather %min3A_336[%gather3A_341] in [0] : vector<16xf32>, vector<16xi32> -> vector<16xf32>
      %min3A_343 = arith.minimumf %min3A_336, %gather3A_342 : vector<16xf32>
      %xor3A_344 = arith.constant 1 : i32
      %xor3A_345 = vector.broadcast %xor3A_344 : i32 to vector<16xi32>
      %xor3A_346 = arith.xori %iota3A, %xor3A_345 : vector<16xi32>
      %broadcast_in_dim3A_347 = vector.shape_cast %xor3A_346 : vector<16xi32> to vector<16x1xi32>
      %gather3A_348 = vector.shape_cast %broadcast_in_dim3A_347 : vector<16x1xi32> to vector<16xi32>
      %gather3A_349 = tpu.dynamic_gather %min3A_343[%gather3A_348] in [0] : vector<16xf32>, vector<16xi32> -> vector<16xf32>
      %min3A_350 = arith.minimumf %min3A_343, %gather3A_349 : vector<16xf32>
      %eq3A_351 = arith.constant 4 : i32
      %eq3A_352 = vector.broadcast %eq3A_351 : i32 to vector<16xi32>
      %eq3A_353 = arith.cmpi eq, %iota3A, %eq3A_352 : vector<16xi32>
      %select_n3A_354 = arith.select %eq3A_353, %min3A_350, %select_n3A_322 : vector<16xi1>, vector<16xf32>
      %xor3A_355 = arith.constant 8 : i32
      %xor3A_356 = vector.broadcast %xor3A_355 : i32 to vector<16xi32>
      %xor3A_357 = arith.xori %iota3A, %xor3A_356 : vector<16xi32>
      %broadcast_in_dim3A_358 = vector.shape_cast %xor3A_357 : vector<16xi32> to vector<16x1xi32>
      %gather3A_359 = vector.shape_cast %broadcast_in_dim3A_358 : vector<16x1xi32> to vector<16xi32>
      %gather3A_360 = tpu.dynamic_gather %scan3A_194#5[%gather3A_359] in [0] : vector<16xf32>, vector<16xi32> -> vector<16xf32>
      %min3A_361 = arith.minimumf %scan3A_194#5, %gather3A_360 : vector<16xf32>
      %xor3A_362 = arith.constant 4 : i32
      %xor3A_363 = vector.broadcast %xor3A_362 : i32 to vector<16xi32>
      %xor3A_364 = arith.xori %iota3A, %xor3A_363 : vector<16xi32>
      %broadcast_in_dim3A_365 = vector.shape_cast %xor3A_364 : vector<16xi32> to vector<16x1xi32>
      %gather3A_366 = vector.shape_cast %broadcast_in_dim3A_365 : vector<16x1xi32> to vector<16xi32>
      %gather3A_367 = tpu.dynamic_gather %min3A_361[%gather3A_366] in [0] : vector<16xf32>, vector<16xi32> -> vector<16xf32>
      %min3A_368 = arith.minimumf %min3A_361, %gather3A_367 : vector<16xf32>
      %xor3A_369 = arith.constant 2 : i32
      %xor3A_370 = vector.broadcast %xor3A_369 : i32 to vector<16xi32>
      %xor3A_371 = arith.xori %iota3A, %xor3A_370 : vector<16xi32>
      %broadcast_in_dim3A_372 = vector.shape_cast %xor3A_371 : vector<16xi32> to vector<16x1xi32>
      %gather3A_373 = vector.shape_cast %broadcast_in_dim3A_372 : vector<16x1xi32> to vector<16xi32>
      %gather3A_374 = tpu.dynamic_gather %min3A_368[%gather3A_373] in [0] : vector<16xf32>, vector<16xi32> -> vector<16xf32>
      %min3A_375 = arith.minimumf %min3A_368, %gather3A_374 : vector<16xf32>
      %xor3A_376 = arith.constant 1 : i32
      %xor3A_377 = vector.broadcast %xor3A_376 : i32 to vector<16xi32>
      %xor3A_378 = arith.xori %iota3A, %xor3A_377 : vector<16xi32>
      %broadcast_in_dim3A_379 = vector.shape_cast %xor3A_378 : vector<16xi32> to vector<16x1xi32>
      %gather3A_380 = vector.shape_cast %broadcast_in_dim3A_379 : vector<16x1xi32> to vector<16xi32>
      %gather3A_381 = tpu.dynamic_gather %min3A_375[%gather3A_380] in [0] : vector<16xf32>, vector<16xi32> -> vector<16xf32>
      %min3A_382 = arith.minimumf %min3A_375, %gather3A_381 : vector<16xf32>
      %eq3A_383 = arith.constant 5 : i32
      %eq3A_384 = vector.broadcast %eq3A_383 : i32 to vector<16xi32>
      %eq3A_385 = arith.cmpi eq, %iota3A, %eq3A_384 : vector<16xi32>
      %select_n3A_386 = arith.select %eq3A_385, %min3A_382, %select_n3A_354 : vector<16xi1>, vector<16xf32>
      %xor3A_387 = arith.constant 8 : i32
      %xor3A_388 = vector.broadcast %xor3A_387 : i32 to vector<16xi32>
      %xor3A_389 = arith.xori %iota3A, %xor3A_388 : vector<16xi32>
      %broadcast_in_dim3A_390 = vector.shape_cast %xor3A_389 : vector<16xi32> to vector<16x1xi32>
      %gather3A_391 = vector.shape_cast %broadcast_in_dim3A_390 : vector<16x1xi32> to vector<16xi32>
      %gather3A_392 = tpu.dynamic_gather %scan3A_194#6[%gather3A_391] in [0] : vector<16xf32>, vector<16xi32> -> vector<16xf32>
      %min3A_393 = arith.minimumf %scan3A_194#6, %gather3A_392 : vector<16xf32>
      %xor3A_394 = arith.constant 4 : i32
      %xor3A_395 = vector.broadcast %xor3A_394 : i32 to vector<16xi32>
      %xor3A_396 = arith.xori %iota3A, %xor3A_395 : vector<16xi32>
      %broadcast_in_dim3A_397 = vector.shape_cast %xor3A_396 : vector<16xi32> to vector<16x1xi32>
      %gather3A_398 = vector.shape_cast %broadcast_in_dim3A_397 : vector<16x1xi32> to vector<16xi32>
      %gather3A_399 = tpu.dynamic_gather %min3A_393[%gather3A_398] in [0] : vector<16xf32>, vector<16xi32> -> vector<16xf32>
      %min3A_400 = arith.minimumf %min3A_393, %gather3A_399 : vector<16xf32>
      %xor3A_401 = arith.constant 2 : i32
      %xor3A_402 = vector.broadcast %xor3A_401 : i32 to vector<16xi32>
      %xor3A_403 = arith.xori %iota3A, %xor3A_402 : vector<16xi32>
      %broadcast_in_dim3A_404 = vector.shape_cast %xor3A_403 : vector<16xi32> to vector<16x1xi32>
      %gather3A_405 = vector.shape_cast %broadcast_in_dim3A_404 : vector<16x1xi32> to vector<16xi32>
      %gather3A_406 = tpu.dynamic_gather %min3A_400[%gather3A_405] in [0] : vector<16xf32>, vector<16xi32> -> vector<16xf32>
      %min3A_407 = arith.minimumf %min3A_400, %gather3A_406 : vector<16xf32>
      %xor3A_408 = arith.constant 1 : i32
      %xor3A_409 = vector.broadcast %xor3A_408 : i32 to vector<16xi32>
      %xor3A_410 = arith.xori %iota3A, %xor3A_409 : vector<16xi32>
      %broadcast_in_dim3A_411 = vector.shape_cast %xor3A_410 : vector<16xi32> to vector<16x1xi32>
      %gather3A_412 = vector.shape_cast %broadcast_in_dim3A_411 : vector<16x1xi32> to vector<16xi32>
      %gather3A_413 = tpu.dynamic_gather %min3A_407[%gather3A_412] in [0] : vector<16xf32>, vector<16xi32> -> vector<16xf32>
      %min3A_414 = arith.minimumf %min3A_407, %gather3A_413 : vector<16xf32>
      %eq3A_415 = arith.constant 6 : i32
      %eq3A_416 = vector.broadcast %eq3A_415 : i32 to vector<16xi32>
      %eq3A_417 = arith.cmpi eq, %iota3A, %eq3A_416 : vector<16xi32>
      %select_n3A_418 = arith.select %eq3A_417, %min3A_414, %select_n3A_386 : vector<16xi1>, vector<16xf32>
      %xor3A_419 = arith.constant 8 : i32
      %xor3A_420 = vector.broadcast %xor3A_419 : i32 to vector<16xi32>
      %xor3A_421 = arith.xori %iota3A, %xor3A_420 : vector<16xi32>
      %broadcast_in_dim3A_422 = vector.shape_cast %xor3A_421 : vector<16xi32> to vector<16x1xi32>
      %gather3A_423 = vector.shape_cast %broadcast_in_dim3A_422 : vector<16x1xi32> to vector<16xi32>
      %gather3A_424 = tpu.dynamic_gather %scan3A_194#7[%gather3A_423] in [0] : vector<16xf32>, vector<16xi32> -> vector<16xf32>
      %min3A_425 = arith.minimumf %scan3A_194#7, %gather3A_424 : vector<16xf32>
      %xor3A_426 = arith.constant 4 : i32
      %xor3A_427 = vector.broadcast %xor3A_426 : i32 to vector<16xi32>
      %xor3A_428 = arith.xori %iota3A, %xor3A_427 : vector<16xi32>
      %broadcast_in_dim3A_429 = vector.shape_cast %xor3A_428 : vector<16xi32> to vector<16x1xi32>
      %gather3A_430 = vector.shape_cast %broadcast_in_dim3A_429 : vector<16x1xi32> to vector<16xi32>
      %gather3A_431 = tpu.dynamic_gather %min3A_425[%gather3A_430] in [0] : vector<16xf32>, vector<16xi32> -> vector<16xf32>
      %min3A_432 = arith.minimumf %min3A_425, %gather3A_431 : vector<16xf32>
      %xor3A_433 = arith.constant 2 : i32
      %xor3A_434 = vector.broadcast %xor3A_433 : i32 to vector<16xi32>
      %xor3A_435 = arith.xori %iota3A, %xor3A_434 : vector<16xi32>
      %broadcast_in_dim3A_436 = vector.shape_cast %xor3A_435 : vector<16xi32> to vector<16x1xi32>
      %gather3A_437 = vector.shape_cast %broadcast_in_dim3A_436 : vector<16x1xi32> to vector<16xi32>
      %gather3A_438 = tpu.dynamic_gather %min3A_432[%gather3A_437] in [0] : vector<16xf32>, vector<16xi32> -> vector<16xf32>
      %min3A_439 = arith.minimumf %min3A_432, %gather3A_438 : vector<16xf32>
      %xor3A_440 = arith.constant 1 : i32
      %xor3A_441 = vector.broadcast %xor3A_440 : i32 to vector<16xi32>
      %xor3A_442 = arith.xori %iota3A, %xor3A_441 : vector<16xi32>
      %broadcast_in_dim3A_443 = vector.shape_cast %xor3A_442 : vector<16xi32> to vector<16x1xi32>
      %gather3A_444 = vector.shape_cast %broadcast_in_dim3A_443 : vector<16x1xi32> to vector<16xi32>
      %gather3A_445 = tpu.dynamic_gather %min3A_439[%gather3A_444] in [0] : vector<16xf32>, vector<16xi32> -> vector<16xf32>
      %min3A_446 = arith.minimumf %min3A_439, %gather3A_445 : vector<16xf32>
      %eq3A_447 = arith.constant 7 : i32
      %eq3A_448 = vector.broadcast %eq3A_447 : i32 to vector<16xi32>
      %eq3A_449 = arith.cmpi eq, %iota3A, %eq3A_448 : vector<16xi32>
      %select_n3A_450 = arith.select %eq3A_449, %min3A_446, %select_n3A_418 : vector<16xi1>, vector<16xf32>
      %xor3A_451 = arith.constant 8 : i32
      %xor3A_452 = vector.broadcast %xor3A_451 : i32 to vector<16xi32>
      %xor3A_453 = arith.xori %iota3A, %xor3A_452 : vector<16xi32>
      %broadcast_in_dim3A_454 = vector.shape_cast %xor3A_453 : vector<16xi32> to vector<16x1xi32>
      %gather3A_455 = vector.shape_cast %broadcast_in_dim3A_454 : vector<16x1xi32> to vector<16xi32>
      %gather3A_456 = tpu.dynamic_gather %scan3A_194#8[%gather3A_455] in [0] : vector<16xf32>, vector<16xi32> -> vector<16xf32>
      %min3A_457 = arith.minimumf %scan3A_194#8, %gather3A_456 : vector<16xf32>
      %xor3A_458 = arith.constant 4 : i32
      %xor3A_459 = vector.broadcast %xor3A_458 : i32 to vector<16xi32>
      %xor3A_460 = arith.xori %iota3A, %xor3A_459 : vector<16xi32>
      %broadcast_in_dim3A_461 = vector.shape_cast %xor3A_460 : vector<16xi32> to vector<16x1xi32>
      %gather3A_462 = vector.shape_cast %broadcast_in_dim3A_461 : vector<16x1xi32> to vector<16xi32>
      %gather3A_463 = tpu.dynamic_gather %min3A_457[%gather3A_462] in [0] : vector<16xf32>, vector<16xi32> -> vector<16xf32>
      %min3A_464 = arith.minimumf %min3A_457, %gather3A_463 : vector<16xf32>
      %xor3A_465 = arith.constant 2 : i32
      %xor3A_466 = vector.broadcast %xor3A_465 : i32 to vector<16xi32>
      %xor3A_467 = arith.xori %iota3A, %xor3A_466 : vector<16xi32>
      %broadcast_in_dim3A_468 = vector.shape_cast %xor3A_467 : vector<16xi32> to vector<16x1xi32>
      %gather3A_469 = vector.shape_cast %broadcast_in_dim3A_468 : vector<16x1xi32> to vector<16xi32>
      %gather3A_470 = tpu.dynamic_gather %min3A_464[%gather3A_469] in [0] : vector<16xf32>, vector<16xi32> -> vector<16xf32>
      %min3A_471 = arith.minimumf %min3A_464, %gather3A_470 : vector<16xf32>
      %xor3A_472 = arith.constant 1 : i32
      %xor3A_473 = vector.broadcast %xor3A_472 : i32 to vector<16xi32>
      %xor3A_474 = arith.xori %iota3A, %xor3A_473 : vector<16xi32>
      %broadcast_in_dim3A_475 = vector.shape_cast %xor3A_474 : vector<16xi32> to vector<16x1xi32>
      %gather3A_476 = vector.shape_cast %broadcast_in_dim3A_475 : vector<16x1xi32> to vector<16xi32>
      %gather3A_477 = tpu.dynamic_gather %min3A_471[%gather3A_476] in [0] : vector<16xf32>, vector<16xi32> -> vector<16xf32>
      %min3A_478 = arith.minimumf %min3A_471, %gather3A_477 : vector<16xf32>
      %eq3A_479 = arith.constant 8 : i32
      %eq3A_480 = vector.broadcast %eq3A_479 : i32 to vector<16xi32>
      %eq3A_481 = arith.cmpi eq, %iota3A, %eq3A_480 : vector<16xi32>
      %select_n3A_482 = arith.select %eq3A_481, %min3A_478, %select_n3A_450 : vector<16xi1>, vector<16xf32>
      %xor3A_483 = arith.constant 8 : i32
      %xor3A_484 = vector.broadcast %xor3A_483 : i32 to vector<16xi32>
      %xor3A_485 = arith.xori %iota3A, %xor3A_484 : vector<16xi32>
      %broadcast_in_dim3A_486 = vector.shape_cast %xor3A_485 : vector<16xi32> to vector<16x1xi32>
      %gather3A_487 = vector.shape_cast %broadcast_in_dim3A_486 : vector<16x1xi32> to vector<16xi32>
      %gather3A_488 = tpu.dynamic_gather %scan3A_194#9[%gather3A_487] in [0] : vector<16xf32>, vector<16xi32> -> vector<16xf32>
      %min3A_489 = arith.minimumf %scan3A_194#9, %gather3A_488 : vector<16xf32>
      %xor3A_490 = arith.constant 4 : i32
      %xor3A_491 = vector.broadcast %xor3A_490 : i32 to vector<16xi32>
      %xor3A_492 = arith.xori %iota3A, %xor3A_491 : vector<16xi32>
      %broadcast_in_dim3A_493 = vector.shape_cast %xor3A_492 : vector<16xi32> to vector<16x1xi32>
      %gather3A_494 = vector.shape_cast %broadcast_in_dim3A_493 : vector<16x1xi32> to vector<16xi32>
      %gather3A_495 = tpu.dynamic_gather %min3A_489[%gather3A_494] in [0] : vector<16xf32>, vector<16xi32> -> vector<16xf32>
      %min3A_496 = arith.minimumf %min3A_489, %gather3A_495 : vector<16xf32>
      %xor3A_497 = arith.constant 2 : i32
      %xor3A_498 = vector.broadcast %xor3A_497 : i32 to vector<16xi32>
      %xor3A_499 = arith.xori %iota3A, %xor3A_498 : vector<16xi32>
      %broadcast_in_dim3A_500 = vector.shape_cast %xor3A_499 : vector<16xi32> to vector<16x1xi32>
      %gather3A_501 = vector.shape_cast %broadcast_in_dim3A_500 : vector<16x1xi32> to vector<16xi32>
      %gather3A_502 = tpu.dynamic_gather %min3A_496[%gather3A_501] in [0] : vector<16xf32>, vector<16xi32> -> vector<16xf32>
      %min3A_503 = arith.minimumf %min3A_496, %gather3A_502 : vector<16xf32>
      %xor3A_504 = arith.constant 1 : i32
      %xor3A_505 = vector.broadcast %xor3A_504 : i32 to vector<16xi32>
      %xor3A_506 = arith.xori %iota3A, %xor3A_505 : vector<16xi32>
      %broadcast_in_dim3A_507 = vector.shape_cast %xor3A_506 : vector<16xi32> to vector<16x1xi32>
      %gather3A_508 = vector.shape_cast %broadcast_in_dim3A_507 : vector<16x1xi32> to vector<16xi32>
      %gather3A_509 = tpu.dynamic_gather %min3A_503[%gather3A_508] in [0] : vector<16xf32>, vector<16xi32> -> vector<16xf32>
      %min3A_510 = arith.minimumf %min3A_503, %gather3A_509 : vector<16xf32>
      %eq3A_511 = arith.constant 9 : i32
      %eq3A_512 = vector.broadcast %eq3A_511 : i32 to vector<16xi32>
      %eq3A_513 = arith.cmpi eq, %iota3A, %eq3A_512 : vector<16xi32>
      %select_n3A_514 = arith.select %eq3A_513, %min3A_510, %select_n3A_482 : vector<16xi1>, vector<16xf32>
      %xor3A_515 = arith.constant 8 : i32
      %xor3A_516 = vector.broadcast %xor3A_515 : i32 to vector<16xi32>
      %xor3A_517 = arith.xori %iota3A, %xor3A_516 : vector<16xi32>
      %broadcast_in_dim3A_518 = vector.shape_cast %xor3A_517 : vector<16xi32> to vector<16x1xi32>
      %gather3A_519 = vector.shape_cast %broadcast_in_dim3A_518 : vector<16x1xi32> to vector<16xi32>
      %gather3A_520 = tpu.dynamic_gather %scan3A_194#10[%gather3A_519] in [0] : vector<16xf32>, vector<16xi32> -> vector<16xf32>
      %min3A_521 = arith.minimumf %scan3A_194#10, %gather3A_520 : vector<16xf32>
      %xor3A_522 = arith.constant 4 : i32
      %xor3A_523 = vector.broadcast %xor3A_522 : i32 to vector<16xi32>
      %xor3A_524 = arith.xori %iota3A, %xor3A_523 : vector<16xi32>
      %broadcast_in_dim3A_525 = vector.shape_cast %xor3A_524 : vector<16xi32> to vector<16x1xi32>
      %gather3A_526 = vector.shape_cast %broadcast_in_dim3A_525 : vector<16x1xi32> to vector<16xi32>
      %gather3A_527 = tpu.dynamic_gather %min3A_521[%gather3A_526] in [0] : vector<16xf32>, vector<16xi32> -> vector<16xf32>
      %min3A_528 = arith.minimumf %min3A_521, %gather3A_527 : vector<16xf32>
      %xor3A_529 = arith.constant 2 : i32
      %xor3A_530 = vector.broadcast %xor3A_529 : i32 to vector<16xi32>
      %xor3A_531 = arith.xori %iota3A, %xor3A_530 : vector<16xi32>
      %broadcast_in_dim3A_532 = vector.shape_cast %xor3A_531 : vector<16xi32> to vector<16x1xi32>
      %gather3A_533 = vector.shape_cast %broadcast_in_dim3A_532 : vector<16x1xi32> to vector<16xi32>
      %gather3A_534 = tpu.dynamic_gather %min3A_528[%gather3A_533] in [0] : vector<16xf32>, vector<16xi32> -> vector<16xf32>
      %min3A_535 = arith.minimumf %min3A_528, %gather3A_534 : vector<16xf32>
      %xor3A_536 = arith.constant 1 : i32
      %xor3A_537 = vector.broadcast %xor3A_536 : i32 to vector<16xi32>
      %xor3A_538 = arith.xori %iota3A, %xor3A_537 : vector<16xi32>
      %broadcast_in_dim3A_539 = vector.shape_cast %xor3A_538 : vector<16xi32> to vector<16x1xi32>
      %gather3A_540 = vector.shape_cast %broadcast_in_dim3A_539 : vector<16x1xi32> to vector<16xi32>
      %gather3A_541 = tpu.dynamic_gather %min3A_535[%gather3A_540] in [0] : vector<16xf32>, vector<16xi32> -> vector<16xf32>
      %min3A_542 = arith.minimumf %min3A_535, %gather3A_541 : vector<16xf32>
      %eq3A_543 = arith.constant 10 : i32
      %eq3A_544 = vector.broadcast %eq3A_543 : i32 to vector<16xi32>
      %eq3A_545 = arith.cmpi eq, %iota3A, %eq3A_544 : vector<16xi32>
      %select_n3A_546 = arith.select %eq3A_545, %min3A_542, %select_n3A_514 : vector<16xi1>, vector<16xf32>
      %xor3A_547 = arith.constant 8 : i32
      %xor3A_548 = vector.broadcast %xor3A_547 : i32 to vector<16xi32>
      %xor3A_549 = arith.xori %iota3A, %xor3A_548 : vector<16xi32>
      %broadcast_in_dim3A_550 = vector.shape_cast %xor3A_549 : vector<16xi32> to vector<16x1xi32>
      %gather3A_551 = vector.shape_cast %broadcast_in_dim3A_550 : vector<16x1xi32> to vector<16xi32>
      %gather3A_552 = tpu.dynamic_gather %scan3A_194#11[%gather3A_551] in [0] : vector<16xf32>, vector<16xi32> -> vector<16xf32>
      %min3A_553 = arith.minimumf %scan3A_194#11, %gather3A_552 : vector<16xf32>
      %xor3A_554 = arith.constant 4 : i32
      %xor3A_555 = vector.broadcast %xor3A_554 : i32 to vector<16xi32>
      %xor3A_556 = arith.xori %iota3A, %xor3A_555 : vector<16xi32>
      %broadcast_in_dim3A_557 = vector.shape_cast %xor3A_556 : vector<16xi32> to vector<16x1xi32>
      %gather3A_558 = vector.shape_cast %broadcast_in_dim3A_557 : vector<16x1xi32> to vector<16xi32>
      %gather3A_559 = tpu.dynamic_gather %min3A_553[%gather3A_558] in [0] : vector<16xf32>, vector<16xi32> -> vector<16xf32>
      %min3A_560 = arith.minimumf %min3A_553, %gather3A_559 : vector<16xf32>
      %xor3A_561 = arith.constant 2 : i32
      %xor3A_562 = vector.broadcast %xor3A_561 : i32 to vector<16xi32>
      %xor3A_563 = arith.xori %iota3A, %xor3A_562 : vector<16xi32>
      %broadcast_in_dim3A_564 = vector.shape_cast %xor3A_563 : vector<16xi32> to vector<16x1xi32>
      %gather3A_565 = vector.shape_cast %broadcast_in_dim3A_564 : vector<16x1xi32> to vector<16xi32>
      %gather3A_566 = tpu.dynamic_gather %min3A_560[%gather3A_565] in [0] : vector<16xf32>, vector<16xi32> -> vector<16xf32>
      %min3A_567 = arith.minimumf %min3A_560, %gather3A_566 : vector<16xf32>
      %xor3A_568 = arith.constant 1 : i32
      %xor3A_569 = vector.broadcast %xor3A_568 : i32 to vector<16xi32>
      %xor3A_570 = arith.xori %iota3A, %xor3A_569 : vector<16xi32>
      %broadcast_in_dim3A_571 = vector.shape_cast %xor3A_570 : vector<16xi32> to vector<16x1xi32>
      %gather3A_572 = vector.shape_cast %broadcast_in_dim3A_571 : vector<16x1xi32> to vector<16xi32>
      %gather3A_573 = tpu.dynamic_gather %min3A_567[%gather3A_572] in [0] : vector<16xf32>, vector<16xi32> -> vector<16xf32>
      %min3A_574 = arith.minimumf %min3A_567, %gather3A_573 : vector<16xf32>
      %eq3A_575 = arith.constant 11 : i32
      %eq3A_576 = vector.broadcast %eq3A_575 : i32 to vector<16xi32>
      %eq3A_577 = arith.cmpi eq, %iota3A, %eq3A_576 : vector<16xi32>
      %select_n3A_578 = arith.select %eq3A_577, %min3A_574, %select_n3A_546 : vector<16xi1>, vector<16xf32>
      %xor3A_579 = arith.constant 8 : i32
      %xor3A_580 = vector.broadcast %xor3A_579 : i32 to vector<16xi32>
      %xor3A_581 = arith.xori %iota3A, %xor3A_580 : vector<16xi32>
      %broadcast_in_dim3A_582 = vector.shape_cast %xor3A_581 : vector<16xi32> to vector<16x1xi32>
      %gather3A_583 = vector.shape_cast %broadcast_in_dim3A_582 : vector<16x1xi32> to vector<16xi32>
      %gather3A_584 = tpu.dynamic_gather %scan3A_194#12[%gather3A_583] in [0] : vector<16xf32>, vector<16xi32> -> vector<16xf32>
      %min3A_585 = arith.minimumf %scan3A_194#12, %gather3A_584 : vector<16xf32>
      %xor3A_586 = arith.constant 4 : i32
      %xor3A_587 = vector.broadcast %xor3A_586 : i32 to vector<16xi32>
      %xor3A_588 = arith.xori %iota3A, %xor3A_587 : vector<16xi32>
      %broadcast_in_dim3A_589 = vector.shape_cast %xor3A_588 : vector<16xi32> to vector<16x1xi32>
      %gather3A_590 = vector.shape_cast %broadcast_in_dim3A_589 : vector<16x1xi32> to vector<16xi32>
      %gather3A_591 = tpu.dynamic_gather %min3A_585[%gather3A_590] in [0] : vector<16xf32>, vector<16xi32> -> vector<16xf32>
      %min3A_592 = arith.minimumf %min3A_585, %gather3A_591 : vector<16xf32>
      %xor3A_593 = arith.constant 2 : i32
      %xor3A_594 = vector.broadcast %xor3A_593 : i32 to vector<16xi32>
      %xor3A_595 = arith.xori %iota3A, %xor3A_594 : vector<16xi32>
      %broadcast_in_dim3A_596 = vector.shape_cast %xor3A_595 : vector<16xi32> to vector<16x1xi32>
      %gather3A_597 = vector.shape_cast %broadcast_in_dim3A_596 : vector<16x1xi32> to vector<16xi32>
      %gather3A_598 = tpu.dynamic_gather %min3A_592[%gather3A_597] in [0] : vector<16xf32>, vector<16xi32> -> vector<16xf32>
      %min3A_599 = arith.minimumf %min3A_592, %gather3A_598 : vector<16xf32>
      %xor3A_600 = arith.constant 1 : i32
      %xor3A_601 = vector.broadcast %xor3A_600 : i32 to vector<16xi32>
      %xor3A_602 = arith.xori %iota3A, %xor3A_601 : vector<16xi32>
      %broadcast_in_dim3A_603 = vector.shape_cast %xor3A_602 : vector<16xi32> to vector<16x1xi32>
      %gather3A_604 = vector.shape_cast %broadcast_in_dim3A_603 : vector<16x1xi32> to vector<16xi32>
      %gather3A_605 = tpu.dynamic_gather %min3A_599[%gather3A_604] in [0] : vector<16xf32>, vector<16xi32> -> vector<16xf32>
      %min3A_606 = arith.minimumf %min3A_599, %gather3A_605 : vector<16xf32>
      %eq3A_607 = arith.constant 12 : i32
      %eq3A_608 = vector.broadcast %eq3A_607 : i32 to vector<16xi32>
      %eq3A_609 = arith.cmpi eq, %iota3A, %eq3A_608 : vector<16xi32>
      %select_n3A_610 = arith.select %eq3A_609, %min3A_606, %select_n3A_578 : vector<16xi1>, vector<16xf32>
      %xor3A_611 = arith.constant 8 : i32
      %xor3A_612 = vector.broadcast %xor3A_611 : i32 to vector<16xi32>
      %xor3A_613 = arith.xori %iota3A, %xor3A_612 : vector<16xi32>
      %broadcast_in_dim3A_614 = vector.shape_cast %xor3A_613 : vector<16xi32> to vector<16x1xi32>
      %gather3A_615 = vector.shape_cast %broadcast_in_dim3A_614 : vector<16x1xi32> to vector<16xi32>
      %gather3A_616 = tpu.dynamic_gather %scan3A_194#13[%gather3A_615] in [0] : vector<16xf32>, vector<16xi32> -> vector<16xf32>
      %min3A_617 = arith.minimumf %scan3A_194#13, %gather3A_616 : vector<16xf32>
      %xor3A_618 = arith.constant 4 : i32
      %xor3A_619 = vector.broadcast %xor3A_618 : i32 to vector<16xi32>
      %xor3A_620 = arith.xori %iota3A, %xor3A_619 : vector<16xi32>
      %broadcast_in_dim3A_621 = vector.shape_cast %xor3A_620 : vector<16xi32> to vector<16x1xi32>
      %gather3A_622 = vector.shape_cast %broadcast_in_dim3A_621 : vector<16x1xi32> to vector<16xi32>
      %gather3A_623 = tpu.dynamic_gather %min3A_617[%gather3A_622] in [0] : vector<16xf32>, vector<16xi32> -> vector<16xf32>
      %min3A_624 = arith.minimumf %min3A_617, %gather3A_623 : vector<16xf32>
      %xor3A_625 = arith.constant 2 : i32
      %xor3A_626 = vector.broadcast %xor3A_625 : i32 to vector<16xi32>
      %xor3A_627 = arith.xori %iota3A, %xor3A_626 : vector<16xi32>
      %broadcast_in_dim3A_628 = vector.shape_cast %xor3A_627 : vector<16xi32> to vector<16x1xi32>
      %gather3A_629 = vector.shape_cast %broadcast_in_dim3A_628 : vector<16x1xi32> to vector<16xi32>
      %gather3A_630 = tpu.dynamic_gather %min3A_624[%gather3A_629] in [0] : vector<16xf32>, vector<16xi32> -> vector<16xf32>
      %min3A_631 = arith.minimumf %min3A_624, %gather3A_630 : vector<16xf32>
      %xor3A_632 = arith.constant 1 : i32
      %xor3A_633 = vector.broadcast %xor3A_632 : i32 to vector<16xi32>
      %xor3A_634 = arith.xori %iota3A, %xor3A_633 : vector<16xi32>
      %broadcast_in_dim3A_635 = vector.shape_cast %xor3A_634 : vector<16xi32> to vector<16x1xi32>
      %gather3A_636 = vector.shape_cast %broadcast_in_dim3A_635 : vector<16x1xi32> to vector<16xi32>
      %gather3A_637 = tpu.dynamic_gather %min3A_631[%gather3A_636] in [0] : vector<16xf32>, vector<16xi32> -> vector<16xf32>
      %min3A_638 = arith.minimumf %min3A_631, %gather3A_637 : vector<16xf32>
      %eq3A_639 = arith.constant 13 : i32
      %eq3A_640 = vector.broadcast %eq3A_639 : i32 to vector<16xi32>
      %eq3A_641 = arith.cmpi eq, %iota3A, %eq3A_640 : vector<16xi32>
      %select_n3A_642 = arith.select %eq3A_641, %min3A_638, %select_n3A_610 : vector<16xi1>, vector<16xf32>
      %xor3A_643 = arith.constant 8 : i32
      %xor3A_644 = vector.broadcast %xor3A_643 : i32 to vector<16xi32>
      %xor3A_645 = arith.xori %iota3A, %xor3A_644 : vector<16xi32>
      %broadcast_in_dim3A_646 = vector.shape_cast %xor3A_645 : vector<16xi32> to vector<16x1xi32>
      %gather3A_647 = vector.shape_cast %broadcast_in_dim3A_646 : vector<16x1xi32> to vector<16xi32>
      %gather3A_648 = tpu.dynamic_gather %scan3A_194#14[%gather3A_647] in [0] : vector<16xf32>, vector<16xi32> -> vector<16xf32>
      %min3A_649 = arith.minimumf %scan3A_194#14, %gather3A_648 : vector<16xf32>
      %xor3A_650 = arith.constant 4 : i32
      %xor3A_651 = vector.broadcast %xor3A_650 : i32 to vector<16xi32>
      %xor3A_652 = arith.xori %iota3A, %xor3A_651 : vector<16xi32>
      %broadcast_in_dim3A_653 = vector.shape_cast %xor3A_652 : vector<16xi32> to vector<16x1xi32>
      %gather3A_654 = vector.shape_cast %broadcast_in_dim3A_653 : vector<16x1xi32> to vector<16xi32>
      %gather3A_655 = tpu.dynamic_gather %min3A_649[%gather3A_654] in [0] : vector<16xf32>, vector<16xi32> -> vector<16xf32>
      %min3A_656 = arith.minimumf %min3A_649, %gather3A_655 : vector<16xf32>
      %xor3A_657 = arith.constant 2 : i32
      %xor3A_658 = vector.broadcast %xor3A_657 : i32 to vector<16xi32>
      %xor3A_659 = arith.xori %iota3A, %xor3A_658 : vector<16xi32>
      %broadcast_in_dim3A_660 = vector.shape_cast %xor3A_659 : vector<16xi32> to vector<16x1xi32>
      %gather3A_661 = vector.shape_cast %broadcast_in_dim3A_660 : vector<16x1xi32> to vector<16xi32>
      %gather3A_662 = tpu.dynamic_gather %min3A_656[%gather3A_661] in [0] : vector<16xf32>, vector<16xi32> -> vector<16xf32>
      %min3A_663 = arith.minimumf %min3A_656, %gather3A_662 : vector<16xf32>
      %xor3A_664 = arith.constant 1 : i32
      %xor3A_665 = vector.broadcast %xor3A_664 : i32 to vector<16xi32>
      %xor3A_666 = arith.xori %iota3A, %xor3A_665 : vector<16xi32>
      %broadcast_in_dim3A_667 = vector.shape_cast %xor3A_666 : vector<16xi32> to vector<16x1xi32>
      %gather3A_668 = vector.shape_cast %broadcast_in_dim3A_667 : vector<16x1xi32> to vector<16xi32>
      %gather3A_669 = tpu.dynamic_gather %min3A_663[%gather3A_668] in [0] : vector<16xf32>, vector<16xi32> -> vector<16xf32>
      %min3A_670 = arith.minimumf %min3A_663, %gather3A_669 : vector<16xf32>
      %eq3A_671 = arith.constant 14 : i32
      %eq3A_672 = vector.broadcast %eq3A_671 : i32 to vector<16xi32>
      %eq3A_673 = arith.cmpi eq, %iota3A, %eq3A_672 : vector<16xi32>
      %select_n3A_674 = arith.select %eq3A_673, %min3A_670, %select_n3A_642 : vector<16xi1>, vector<16xf32>
      %xor3A_675 = arith.constant 8 : i32
      %xor3A_676 = vector.broadcast %xor3A_675 : i32 to vector<16xi32>
      %xor3A_677 = arith.xori %iota3A, %xor3A_676 : vector<16xi32>
      %broadcast_in_dim3A_678 = vector.shape_cast %xor3A_677 : vector<16xi32> to vector<16x1xi32>
      %gather3A_679 = vector.shape_cast %broadcast_in_dim3A_678 : vector<16x1xi32> to vector<16xi32>
      %gather3A_680 = tpu.dynamic_gather %scan3A_194#15[%gather3A_679] in [0] : vector<16xf32>, vector<16xi32> -> vector<16xf32>
      %min3A_681 = arith.minimumf %scan3A_194#15, %gather3A_680 : vector<16xf32>
      %xor3A_682 = arith.constant 4 : i32
      %xor3A_683 = vector.broadcast %xor3A_682 : i32 to vector<16xi32>
      %xor3A_684 = arith.xori %iota3A, %xor3A_683 : vector<16xi32>
      %broadcast_in_dim3A_685 = vector.shape_cast %xor3A_684 : vector<16xi32> to vector<16x1xi32>
      %gather3A_686 = vector.shape_cast %broadcast_in_dim3A_685 : vector<16x1xi32> to vector<16xi32>
      %gather3A_687 = tpu.dynamic_gather %min3A_681[%gather3A_686] in [0] : vector<16xf32>, vector<16xi32> -> vector<16xf32>
      %min3A_688 = arith.minimumf %min3A_681, %gather3A_687 : vector<16xf32>
      %xor3A_689 = arith.constant 2 : i32
      %xor3A_690 = vector.broadcast %xor3A_689 : i32 to vector<16xi32>
      %xor3A_691 = arith.xori %iota3A, %xor3A_690 : vector<16xi32>
      %broadcast_in_dim3A_692 = vector.shape_cast %xor3A_691 : vector<16xi32> to vector<16x1xi32>
      %gather3A_693 = vector.shape_cast %broadcast_in_dim3A_692 : vector<16x1xi32> to vector<16xi32>
      %gather3A_694 = tpu.dynamic_gather %min3A_688[%gather3A_693] in [0] : vector<16xf32>, vector<16xi32> -> vector<16xf32>
      %min3A_695 = arith.minimumf %min3A_688, %gather3A_694 : vector<16xf32>
      %xor3A_696 = arith.constant 1 : i32
      %xor3A_697 = vector.broadcast %xor3A_696 : i32 to vector<16xi32>
      %xor3A_698 = arith.xori %iota3A, %xor3A_697 : vector<16xi32>
      %broadcast_in_dim3A_699 = vector.shape_cast %xor3A_698 : vector<16xi32> to vector<16x1xi32>
      %gather3A_700 = vector.shape_cast %broadcast_in_dim3A_699 : vector<16x1xi32> to vector<16xi32>
      %gather3A_701 = tpu.dynamic_gather %min3A_695[%gather3A_700] in [0] : vector<16xf32>, vector<16xi32> -> vector<16xf32>
      %min3A_702 = arith.minimumf %min3A_695, %gather3A_701 : vector<16xf32>
      %eq3A_703 = arith.constant 15 : i32
      %eq3A_704 = vector.broadcast %eq3A_703 : i32 to vector<16xi32>
      %eq3A_705 = arith.cmpi eq, %iota3A, %eq3A_704 : vector<16xi32>
      %select_n3A_706 = arith.select %eq3A_705, %min3A_702, %select_n3A_674 : vector<16xi1>, vector<16xf32>
      %mul3A_707 = arith.constant 16 : i32
      %mul3A_708 = arith.muli %scan3A_44, %mul3A_707 : i32
      %swap3A = arith.index_cast %mul3A_708 : i32 to index
      %swap3A_709 = tpu.vector_load %arg8[%swap3A] {strides = array<i32>} : memref<512xf32, #tpu.memory_space<vmem>>, vector<16xf32>,
      %swap3A_710 = vector.shape_cast %swap3A_709 : vector<16xf32> to vector<16xf32>
      %swap3A_711 = vector.shape_cast %select_n3A_706 : vector<16xf32> to vector<16xf32>
      tpu.vector_store %arg8[%swap3A], %swap3A_711 {strides = array<i32>} : memref<512xf32, #tpu.memory_space<vmem>>, vector<16xf32>,
    }
    %scan3A_43 = arith.constant 32 : i32
    "tpu.region"() ({
      %run_scoped3A = tpu.sem_alloc : memref<!tpu.dma_semaphore, #tpu.memory_space<semaphore_mem>>
      %dma_start3A = tpu.memref_slice %arg4[%select_n3A, %mul3A_32] : memref<4x4096xf32, #tpu.memory_space<hbm>> -> memref<1x512xf32, #tpu.memory_space<hbm>>
      %dma_start3A_44 = tpu.memref_squeeze %dma_start3A : memref<1x512xf32, #tpu.memory_space<hbm>> -> memref<512xf32, #tpu.memory_space<hbm>>
      %dma_start3A_45 = tpu.memref_slice %arg4[%select_n3A, %mul3A_32] : memref<4x4096xf32, #tpu.memory_space<hbm>> -> memref<1x512xf32, #tpu.memory_space<hbm>>
      %dma_start3A_46 = tpu.memref_squeeze %dma_start3A_45 : memref<1x512xf32, #tpu.memory_space<hbm>> -> memref<512xf32, #tpu.memory_space<hbm>>
      tpu.enqueue_dma source(%arg8 : memref<512xf32, #tpu.memory_space<vmem>>) target(%dma_start3A_46 : memref<512xf32, #tpu.memory_space<hbm>>) target_semaphore(%run_scoped3A : memref<!tpu.dma_semaphore, #tpu.memory_space<semaphore_mem>>)
      %dma_wait3A = tpu.memref_slice %arg4[%select_n3A, %mul3A_32] : memref<4x4096xf32, #tpu.memory_space<hbm>> -> memref<1x512xf32, #tpu.memory_space<hbm>>
      %dma_wait3A_47 = tpu.memref_squeeze %dma_wait3A : memref<1x512xf32, #tpu.memory_space<hbm>> -> memref<512xf32, #tpu.memory_space<hbm>>
      %dma_wait3A_48 = tpu.memref_slice %arg4[%select_n3A, %mul3A_32] : memref<4x4096xf32, #tpu.memory_space<hbm>> -> memref<1x512xf32, #tpu.memory_space<hbm>>
      %dma_wait3A_49 = tpu.memref_squeeze %dma_wait3A_48 : memref<1x512xf32, #tpu.memory_space<hbm>> -> memref<512xf32, #tpu.memory_space<hbm>>
      tpu.wait_dma2 semaphore(%run_scoped3A : memref<!tpu.dma_semaphore, #tpu.memory_space<semaphore_mem>>) src(%arg8 : memref<512xf32, #tpu.memory_space<vmem>>) dst(%dma_wait3A_49 : memref<512xf32, #tpu.memory_space<hbm>>)
      tpu.yield
    }) : () -> ()
    "tpu.region"() ({
      %run_scoped3A = tpu.sem_alloc : memref<!tpu.dma_semaphore, #tpu.memory_space<semaphore_mem>>
      %dma_start3A = arith.constant 0 : i32
      %dma_start3A_44 = tpu.memref_slice %arg5[%select_n3A, %select_n3A_30, %dma_start3A] : memref<4x8x4096xf32, #tpu.memory_space<hbm>> -> memref<1x1x4096xf32, #tpu.memory_space<hbm>>
      %dma_start3A_45 = tpu.memref_squeeze %dma_start3A_44 : memref<1x1x4096xf32, #tpu.memory_space<hbm>> -> memref<4096xf32, #tpu.memory_space<hbm>>
      %dma_start3A_46 = arith.constant 0 : i32
      %dma_start3A_47 = tpu.memref_slice %arg5[%select_n3A, %select_n3A_30, %dma_start3A_46] : memref<4x8x4096xf32, #tpu.memory_space<hbm>> -> memref<1x1x4096xf32, #tpu.memory_space<hbm>>
      %dma_start3A_48 = tpu.memref_squeeze %dma_start3A_47 : memref<1x1x4096xf32, #tpu.memory_space<hbm>> -> memref<4096xf32, #tpu.memory_space<hbm>>
      tpu.enqueue_dma source(%arg9 : memref<4096xf32, #tpu.memory_space<vmem>>) target(%dma_start3A_48 : memref<4096xf32, #tpu.memory_space<hbm>>) target_semaphore(%run_scoped3A : memref<!tpu.dma_semaphore, #tpu.memory_space<semaphore_mem>>)
      %dma_wait3A = arith.constant 0 : i32
      %dma_wait3A_49 = tpu.memref_slice %arg5[%select_n3A, %select_n3A_30, %dma_wait3A] : memref<4x8x4096xf32, #tpu.memory_space<hbm>> -> memref<1x1x4096xf32, #tpu.memory_space<hbm>>
      %dma_wait3A_50 = tpu.memref_squeeze %dma_wait3A_49 : memref<1x1x4096xf32, #tpu.memory_space<hbm>> -> memref<4096xf32, #tpu.memory_space<hbm>>
      %dma_wait3A_51 = arith.constant 0 : i32
      %dma_wait3A_52 = tpu.memref_slice %arg5[%select_n3A, %select_n3A_30, %dma_wait3A_51] : memref<4x8x4096xf32, #tpu.memory_space<hbm>> -> memref<1x1x4096xf32, #tpu.memory_space<hbm>>
      %dma_wait3A_53 = tpu.memref_squeeze %dma_wait3A_52 : memref<1x1x4096xf32, #tpu.memory_space<hbm>> -> memref<4096xf32, #tpu.memory_space<hbm>>
      tpu.wait_dma2 semaphore(%run_scoped3A : memref<!tpu.dma_semaphore, #tpu.memory_space<semaphore_mem>>) src(%arg9 : memref<4096xf32, #tpu.memory_space<vmem>>) dst(%dma_wait3A_53 : memref<4096xf32, #tpu.memory_space<hbm>>)
      tpu.yield
    }) : () -> ()
    return
  }
}

</mosaic_0001>

<sc_bundles>
// kernel: kernel.3.cloned.1.call-start
scs
__scs_entry_jumppad:
0x0: {  	(pc) =	sbr.rel $0x88, $3  }
0x1: {  	(tag) =	ssettag $0x0;
	lr =	simm.s32 $0x1  }
0x2: {  	[smem:$0x3F9F] =	sst lr;
	_ =	strace $0xD0000000  }
0x3: {  	_ = 	snop  }
0x4: {  	_ = 	snop  }
0x5: {  	_ = 	snop  }
0x6: {  	_ = 	snop  }
0x7: {  	_ = 	snop  }
__scs_overlays_trampoline_lowered:
0x8: {  	[smem:$0x3FAE] =	sst s0  }
0x9: {  	[smem:$0x3FAF] =	sst s1  }
0xa: {  	[smem:$0x3FB0] =	sst s2  }
0xb: {  	[smem:$0x3FB1] =	sst s3  }
0xc: {  	[smem:$0x3FB2] =	sst s4  }
0xd: {  	[smem:$0x3FB3] =	sst s5  }
0xe: {  	[smem:$0x3FB4] =	sst s6  }
0xf: {  	[smem:$0x3FB5] =	sst s7  }
0x10: {  	[smem:$0x3FB6] =	sst s8  }
0x11: {  	[smem:$0x3FB7] =	sst s9;
	s0 =	simm.s32 @!p0 $0x0  }
0x12: {  	s1 =	sld [smem:$0x3F9D];
	s0 =	simm.s32 @p0 $0x1  }
0x13: {  	[smem:$0x3FB8] =	sst s0;
	s0 =	simm.s32 @!p1 $0x0  }
0x14: {  	s2 =	sld [smem:$0x3F9C];
	s0 =	simm.s32 @p1 $0x1  }
0x15: {  	[smem:$0x3FB9] =	sst s0;
	s0 =	simm.s32 @!p2 $0x0  }
0x16: {  	s3 =	sld [smem:$0x3FDB];
	s0 =	simm.s32 @p2 $0x1  }
0x17: {  	s4 =	simm.s32 $0x1BF5;
	[smem:$0x3FBB] =	sst s0  }
0x18: {  	s0 =	sld [smem:$0x3F9E];
	_ =	swait.ge [sflag:s4], $0x0  }
0x19: {  	s7 =	sld [smem:$0x3F9F]  }
0x1a: {  	s8 =	sadd.s32 $0xFFFFE003, lr  }
0x1b: {  	s9 =	sadd.s32 $0xFFFFFEF7, lr;
	s5 =	simm.s32 $0xFFFFFFFF;
	p2 =	slt.u32 s8, $0xFFFFF086  }
0x1c: {  	p1 =	slt.u32 s9, $0xF7A;
	s5 =	simm.s32 @!p2 $0x0  }
0x1d: {  	s5 =	simm.s32 @p1 $0x1;
	p0 =	seq.s32 s7, s2  }
0x1e: {  	s7 =	smul.u32 @!p0 $0xF7A, s2;
	p2 =	seq.s32 @!p0 s5, $0x0  }
0x1f: {  	s9 =	smul.u32 $0xF7A, s1;
	s8 =	simm.s32 @!p0 $0x1BF5;
	p2 =	por !p2, p0  }
0x20: {  	[sflag:s8] =	ssyncset.s32 @!p0 $0xFFFFF086;
	s6 =	sadd.s32 @!p0 s3, s7;
	s7 =	simm.s32 @!p0 $0x108  }
0x21: {  	s3 =	sadd.s32 s3, s9;
	s6 =	sadd.s32 @!p0 $0x88, s6;
	s7 =	simm.s32 @p2 $0x1082  }
0x22: {  	[simem:s7], [sflag:s8] =	dma.local @!p0 [hbm:s6], $0xF7A  }
0x23: {  	s9 =	sor.u32 $0xD0000000, s2;
	s6 =	simm.s32 $0x108;
	_ =	swait.ge @!p0 [sflag:s8], $0x0  }
0x24: {  	s3 =	sadd.s32 $0x88, s3;
	s6 =	simm.s32 @!p1 $0x1082;
	[sflag:s4] =	ssyncset.s32 $0xFFFFF086  }
0x25: {  	[simem:s6], [sflag:s4] =	dma.local [hbm:s3], $0xF7A  }
0x26: {  	[smem:$0x3F9F] =	sst s1;
	(tag) =	ssettag s2;
	_ =	strace s9  }
0x27: {  	s1 =	sld [smem:$0x3FAF]  }
0x28: {  	s2 =	sld [smem:$0x3FB0]  }
0x29: {  	s4 =	sld [smem:$0x3FB2]  }
0x2a: {  	p0 =	seq.s32 s5, $0x0;
	s5 =	sld [smem:$0x3FB3]  }
0x2b: {  	s6 =	sld [smem:$0x3FB4]  }
0x2c: {  	s7 =	sld [smem:$0x3FB5]  }
0x2d: {  	s3 =	simm.s32 $0x108;
	s8 =	sld [smem:$0x3FB6]  }
0x2e: {  	s3 =	simm.s32 @!p0 $0x1082;
	s9 =	sld [smem:$0x3FB7]  }
0x2f: {  	lr =	sadd.s32 s0, s3;
	s0 =	sld [smem:$0x3FAE]  }
0x30: {  	s3 =	sld [smem:$0x3FB1]  }
0x31: {  	[smem:$0x3FBA] =	sst s10  }
0x32: {  	s10 =	sld [smem:$0x3FB8];
	_ =	sdelay $0x3  }
0x33: {  	p0 =	seq.s32 s10, $0x1;
	s10 =	sld [smem:$0x3FBA];
	_ =	sdelay $0x3  }
0x34: {  	[smem:$0x3FBA] =	sst s10  }
0x35: {  	s10 =	sld [smem:$0x3FB9];
	_ =	sdelay $0x3  }
0x36: {  	p1 =	seq.s32 s10, $0x1;
	s10 =	sld [smem:$0x3FBA];
	_ =	sdelay $0x3  }
0x37: {  	[smem:$0x3FBA] =	sst s10  }
0x38: {  	s10 =	sld [smem:$0x3FBB]  }
0x39: {  	_ = 	snop;
	(pc) =	sbr.ind lr, $3  }
0x3a: {  	_ = 	snop  }
0x3b: {  	_ = 	snop  }
0x3c: {  	p2 =	seq.s32 s10, $0x1;
	s10 =	sld [smem:$0x3FBA]  }
0x3d: {  	_ =	shalt  }
0x3e: {  	_ =	shalt  }
0x3f: {  	_ =	shalt  }
0x40: {  	_ =	shalt  }
0x41: {  	_ =	shalt  }
0x42: {  	_ =	shalt  }
0x43: {  	_ =	shalt  }
0x44: {  	_ =	shalt  }
0x45: {  	_ =	shalt  }
0x46: {  	_ =	shalt  }
0x47: {  	_ =	shalt  }
0x48: {  	_ =	shalt  }
0x49: {  	_ =	shalt  }
0x4a: {  	_ =	shalt  }
0x4b: {  	_ =	shalt  }
0x4c: {  	_ =	shalt  }
0x4d: {  	_ =	shalt  }
0x4e: {  	_ =	shalt  }
0x4f: {  	_ =	shalt  }
0x50: {  	_ =	shalt  }
0x51: {  	_ =	shalt  }
0x52: {  	_ =	shalt  }
0x53: {  	_ =	shalt  }
0x54: {  	_ =	shalt  }
0x55: {  	_ =	shalt  }
0x56: {  	_ =	shalt  }
0x57: {  	_ =	shalt  }
0x58: {  	_ =	shalt  }
0x59: {  	_ =	shalt  }
0x5a: {  	_ =	shalt  }
0x5b: {  	_ =	shalt  }
0x5c: {  	_ =	shalt  }
0x5d: {  	_ =	shalt  }
0x5e: {  	_ =	shalt  }
0x5f: {  	_ =	shalt  }
0x60: {  	_ =	shalt  }
0x61: {  	_ =	shalt  }
0x62: {  	_ =	shalt  }
0x63: {  	_ =	shalt  }
0x64: {  	_ =	shalt  }
0x65: {  	_ =	shalt  }
0x66: {  	_ =	shalt  }
0x67: {  	_ =	shalt  }
0x68: {  	_ =	shalt  }
0x69: {  	_ =	shalt  }
0x6a: {  	_ =	shalt  }
0x6b: {  	_ =	shalt  }
0x6c: {  	_ =	shalt  }
0x6d: {  	_ =	shalt  }
0x6e: {  	_ =	shalt  }
0x6f: {  	_ =	shalt  }
0x70: {  	_ =	shalt  }
0x71: {  	_ =	shalt  }
0x72: {  	_ =	shalt  }
0x73: {  	_ =	shalt  }
0x74: {  	_ =	shalt  }
0x75: {  	_ =	shalt  }
0x76: {  	_ =	shalt  }
0x77: {  	_ =	shalt  }
0x78: {  	_ =	shalt  }
0x79: {  	_ =	shalt  }
0x7a: {  	_ =	shalt  }
0x7b: {  	_ =	shalt  }
0x7c: {  	_ =	shalt  }
0x7d: {  	_ =	shalt  }
0x7e: {  	_ =	shalt  }
0x7f: {  	_ =	shalt  }
0x80: {  	_ =	shalt  }
0x81: {  	_ =	shalt  }
0x82: {  	_ =	shalt  }
0x83: {  	_ =	shalt  }
0x84: {  	_ =	shalt  }
0x85: {  	_ =	shalt  }
0x86: {  	_ =	shalt  }
0x87: {  	_ =	shalt  }
.Lfunc_end0:
.L_simem_size_0:
called_computation_lowered:
.L_overlay_start_0:
0x88: {  	s2 =	sld [smem:$0x3FD9]  }
0x89: {  	s3 =	sld [smem:$0x3FFE];
	_ =	sdelay $0x1  }
0x8a: {  	s1 =	srdreg.scid  }
0x8b: {  	s0 =	sand.u32 $0x1, s1  }
0x8c: {  	s14 =	sshll.u32 s0, $0xA;
	s2 =	sadd.s32 s3, s2  }
0x8d: {  	s2 =	sadd.s32 s2, s14  }
0x8e: {  	[smem:$0x3FC6] =	sst s2  }
0x8f: {  	_ = 	snop  }
0x90: {  	s2 =	sld [smem:$0x3FD0];
	_ =	sdelay $0x2  }
0x91: {  	s15 =	simm.s32 $0xA;
	s4 =	simm.s32 $0x10  }
0x92: {  	[smem:s4], [sflag:s15] =	dma.local [hbm:s2], $0x1  }
0x93: {  	_ =	swait.eq [sflag:s15], $0x1  }
0x94: {  	[sflag:s15] =	ssyncset.done $0x0  }
0x95: {  	[sflag:s15] =	ssyncadd.s32 $0xFFFFFFFF  }
0x96: {  	s16 =	sld [smem:$0x10];
	(tm) =	ssettm $0x1  }
0x97: {  	s17 =	sld [smem:$0x3FFB];
	_ =	sdelay $0x3  }
0x98: {  	_ =	strace s17  }
0x99: {  	s3 =	sld [smem:$0x3FFC];
	_ =	sdelay $0x3  }
0x9a: {  	_ =	strace s3  }
0x9b: {  	s3 =	sld [smem:$0x3FFD];
	_ =	sdelay $0x3  }
0x9c: {  	_ =	strace s3  }
0x9d: {  	_ =	strace $0x8FFFFFFF  }
0x9e: {  	s18 =	sld [smem:$0x3FDB];
	_ =	sdelay $0x1  }
0x9f: {  	s19 =	simm.s32 $_scs_section_size  }
0xa0: {  	s5 =	simm.s32 $_size__tile_overlayer_lowered;
	s6 =	simm.s32 $_tile_overlayer_lowered  }
0xa1: {  	s22 =	simm.s32 $0x1BFF;
	s21 =	sshll.u32 s6, $0x1;
	s3 =	sadd.s32 s19, s18  }
0xa2: {  	s7 =	simm.s32 $0x0;
	s20 =	sshll.u32 s5, $0x1;
	s5 =	sadd.s32 s21, s3  }
0xa3: {  	[timem:s7], [sflag:s22] =	dma.local [hbm:s5], s20  }
0xa4: {  	_ =	swait.ge [sflag:s22], s20  }
0xa5: {  	s4 =	ssub.s32 $0x0, s20;
	[sflag:s22] =	ssyncset.done $0x0  }
0xa6: {  	[sflag:s22] =	ssyncadd.s32 s4;
	_ =	sdelay $0x1  }
0xa7: {  	s23 =	simm.s32 $0x1B8B  }
0xa8: {  	_ =	swait.ge [sflag:s23], $0x1  }
0xa9: {  	[sflag:s23] =	ssyncset.done $0x0  }
0xaa: {  	s25 =	simm.s32 $0x1B8E;
	s24 =	sld [smem:$0x3FFE];
	[sflag:s23] =	ssyncadd.s32 $0xFFFFFFFF  }
0xab: {  	s26 =	simm.s32 $execute0_lowered;
	[smem:$0x3FD2] =	sst s25  }
0xac: {  	s5 =	sshll.u32 s26, $0x1;
	_ =	strace $0x80000046;
	[dreg:$0x1] =	wrdreg $0xFFFFFFFF  }
0xad: {  	s28 =	simm.s32 $_size_execute0_lowered;
	s3 =	sadd.s32 s3, s5;
	[dreg:$0x0] =	wrdreg $0x0  }
0xae: {  	s5 =	sshll.u32 s28, $0x1;
	[dreg:$0x2] =	wrdreg s3  }
0xaf: {  	[dreg:$0x3] =	wrdreg s5  }
0xb0: {  	[dreg:$0x4] =	wrdreg $0xC0  }
0xb1: {  	_ =	task [dreg:s7], $0x5FFFF  }
0xb2: {  	[dreg:$0x1] =	wrdreg $0xFFFFFFFF  }
0xb3: {  	[dreg:$0x0] =	wrdreg $0x60  }
0xb4: {  	[dreg:$0x2] =	wrdreg s24  }
0xb5: {  	[dreg:$0x3] =	wrdreg s16  }
0xb6: {  	[dreg:$0x4] =	wrdreg $0x9  }
0xb7: {  	_ =	task.clear_ibuf [dreg:s7], $0x5FFFF;
	_ =	strace $0x90000046  }
0xb8: {  	s29 =	simm.s32 $0x9;
	_ =	strace $0x80000048  }
0xb9: {  	_ =	swait.ge [sflag:s29], $0x1  }
0xba: {  	[sflag:s29] =	ssyncadd.s32 $0xFFFFFFFF  }
0xbb: {  	_ =	strace $0x90000048  }
0xbc: {  	_ =	sfence  }
0xbd: {  	s30 =	sld [smem:$0x0];
	_ =	sdelay $0x2  }
0xbe: {  	s31 =	sshll.u32 s1, $0xD;
	s1 =	sshrl.u32 s1, $0x2  }
0xbf: {  	s3 =	sand.u32 $0x4000, s31;
	s1 =	sadd.s32 s1, s30  }
0xc0: {  	s0 =	sor.u32 s3, s0;
	s1 =	sshll.u32 s1, $0x11  }
0xc1: {  	s0 =	sor.u32 s1, s0  }
0xc2: {  	s0 =	sadd.s32 $0x8F2B, s0  }
0xc3: {  	[sflag:s0] =	ssyncadd.remote.s32 $0x1  }
0xc4: {  	_ =	sfence.sel $0xFFFF  }
0xc5: {  	[dreg:$0x0] =	wrdreg $0xFFFFFFFF;
	(pc) =	sbr.abs _section_cstart, $3  }
0xc6: {  	[dreg:$0x1] =	wrdreg $0xFFFFFFFF  }
0xc7: {  	_ =	task.clear_ibuf [dreg:s7], $0x2FFFF;
	_ =	strace $0x9FFFFFFF  }
0xc8: {  	(tm) =	ssettm $0x7FFFFFFF  }
0xc9: {  	_ =	shalt  }
tec
execute0_lowered:
.L_overlay_start_1:
0x0: {  	(tag) =	ssettag $0x1  }
0x1: {  	s0 =	stileid.u32;
	s3 =	rddreg [dreg:$0x0];
	v0 =	vimm.s32 $0x76543210  }
0x2: {  	s1 =	srdreg.scid;
	s5 =	rddreg [dreg:$0x1];
	v1 =	vimm.s32 $0xFEDCBA98;
	v2 =	vimm.s32 $0xBA98FEDC;
	v3 =	vimm.s32 $0x32107654  }
0x3: {  	v4 =	vimm.s32 $0xDCFE98BA;
	v5 =	vimm.s32 $0x54761032;
	s13 =	simm.s32 $0x400;
	s14 =	simm.s32 $0x4A00;
	s15 =	simm.s32 $0x0  }
0x4: {  	v6 =	vimm.s32 $0xEFCDAB89;
	v7 =	vimm.s32 $0x67452301;
	s2 =	sshll.u32 s0, $0x1;
	s4 =	sand.u32 $0x1, s1;
	s6 =	sshrl.u32 s0, $0x2;
	v0 =	vunpack.c.l.s4.s8 v0  }
0x5: {  	s1 =	rddreg [dreg:$0x2];
	v1 =	vunpack.c.l.s4.s8 v1;
	v2 =	vunpack.c.l.s4.s8 v2;
	v3 =	vunpack.c.l.s4.s8 v3;
	s2 =	sand.u32 $0x6, s2;
	s9 =	sshll.u32 s6, $0xE  }
0x6: {  	v4 =	vunpack.c.l.s4.s8 v4;
	v5 =	vunpack.c.l.s4.s8 v5;
	v6 =	vunpack.c.l.s4.s8 v6;
	s10 =	sshll.u32 s6, $0xB;
	s11 =	sshll.u32 s6, $0xC;
	s6 =	sshll.u32 s6, $0x7  }
0x7: {  	v7 =	vunpack.c.l.s4.s8 v7;
	s7 =	sor.u32 s4, s2;
	s2 =	simm.s32 $0x0;
	s10 =	sadd.s32 s10, s3;
	v2 =	vunpack.c.0.s8.s32 v2;
	v1 =	vunpack.c.0.s8.s32 v1  }
0x8: {  	s4 =	ssub.s32 $0x2, s4;
	s11 =	sadd.s32 s11, s3;
	v3 =	vunpack.c.0.s8.s32 v3;
	v4 =	vunpack.c.0.s8.s32 v4;
	v0 =	vunpack.c.0.s8.s32 v0;
	s8 =	sshll.u32 s7, $0xB  }
0x9: {  	v5 =	vunpack.c.0.s8.s32 v5;
	v6 =	vunpack.c.0.s8.s32 v6;
	[smem:$0x7FF] =	sst s2;
	s28 =	sshrl.u32 s4, $0x1;
	s30 =	sshll.u32 s7, $0x4;
	v1 =	vand.u32 $0xF, v1  }
0xa: {  	v7 =	vunpack.c.0.s8.s32 v7;
	s9 =	sor.u32 s9, s8;
	_ =	strace $0x80000047;
	s12 =	ssub.s32 s4, s28;
	v2 =	vcombine.low v3, v2;
	v0 =	vcombine.low v1, v0  }
0xb: {  	s29 =	sor.u32 s6, s8;
	v3 =	vcombine.low v5, v4;
	s6 =	sadd.s32 s30, s11;
	s4 =	sadd.s32 $0x600, s10  }
0xc: {  	v4 =	vcombine.low v7, v6;
	s8 =	simm.s32 $0x1;
	s10 =	simm.s32 $0x80;
	s11 =	simm.s32 $0x200;
	v61 =	vand.u32 $0xF, v2;
	[tilespmem:$0x1FFC0] =	vst v0  }
0xd: {  	vm0 =	vmmov $0x1;
	s9 =	sshrl.u32 s9, $0x3;
	s31 =	sshrl.u32 s29, $0x3;
	s6 =	sadd.s32 $0x4600, s6;
	v62 =	vand.u32 $0xF, v3;
	[tilespmem:$0x1FFD0] =	vst v61  }
0xe: {  	vm1 =	vmmov $0x3;
	vm2 =	vmmov $0x7;
	s7 =	smax.u32 s12, $0x1;
	s12 =	simm.s32 $0x4800;
	s9 =	sadd.s32 s9, s3;
	v63 =	vand.u32 $0xF, v4;
	[tilespmem:$0x1FFE0] =	vst v62  }
0xf: {  	vm3 =	vmmov $0xf;
	vm4 =	vmmov $0x1f;
	v5 =	vimm.f32 $3.000000010e+38;
	s5 =	sadd.s32 s5, s31;
	s3 =	sadd.s32 $0x2600, s9;
	s9 =	simm.s32 $0x800;
	[tilespmem:$0x1FFF0] =	vst v63  }
.LBB2_1:
0x10: {  	[tilespmem:s2], [sflag:$0x1] =	stream.linear.gather [hbm4b:s3+s2], $0x800, $0x38;
	[tilespmem:$0x5A00] =	vst v63  }
0x11: {  	_ =	swait.ge [sflag:s8], $0x800  }
0x12: {  	[sflag:s8] =	ssyncset.done $0x0  }
0x13: {  	[sflag:s8] =	ssyncadd.s32 $0xFFFFF800  }
0x14: {  	[tilespmem:s9], [sflag:$0x1] =	stream.linear.gather [hbm4b:s4+s2], $0x4000, $0x38;
	[tilespmem:$0x5A00] =	vst v63  }
0x15: {  	_ =	swait.ge [sflag:s8], $0x4000  }
0x16: {  	[sflag:s8] =	ssyncset.done $0x0  }
0x17: {  	s16 =	simm.s32 $0x40;
	s17 =	simm.s32 $0x0;
	[sflag:s8] =	ssyncadd.s32 $0xFFFFC000  }
.LBB2_2:
0x18: {  	p0 =	sne.s32 s16, $0x3FC0;
	[tilespmem:s17+$0x4A00] =	vst v5;
	s17 =	smov.u32 s16;
	s16 =	sadd.s32 $0x40, s16  }
.Ltmp0:
0x19: {  	(pc) =	sbr.rel @p0 .LBB2_2-.Ltmp0, $2  }
0x1a: {  	_ =	sdelay $0x2  }
0x1b: {  	s17 =	sshra.s32 s17, $0x2  }
0x1c: {  	[tilespmem:s17+$0x4A00] =	vst v5;
	s16 =	simm.s32 $0x0;
	s17 =	simm.s32 $0x0  }
.LBB2_4:
0x1d: {  	s18 =	sshll.u32 s17, $0x4;
	s19 =	sshll.u32 s17, $0x6  }
0x1e: {  	s20 =	sand.u32 $0x70, s18;
	s19 =	sand.u32 $0x600, s19  }
0x1f: {  	s19 =	sor.u32 s20, s19  }
0x20: {  	v5 =	vld [tilespmem:s19+$0x80];
	_ =	sdelay $0x4  }
0x21: {  	v1 =	vbroadcast v5, $0x0  }
0x22: {  	v45 =	vbroadcast v5, $0x1  }
0x23: {  	v46 =	vbroadcast v5, $0x2;
	[tilespmem:$0x1FCB0] =	vst v1  }
0x24: {  	v47 =	vbroadcast v5, $0x3;
	[tilespmem:$0x1FCC0] =	vst v45  }
0x25: {  	v4 =	vld [tilespmem:s19+$0x0];
	v48 =	vbroadcast v5, $0x4;
	[tilespmem:$0x1FCD0] =	vst v46  }
0x26: {  	v0 =	vld [tilespmem:s19+$0x100];
	v49 =	vbroadcast v5, $0x5;
	[tilespmem:$0x1FCE0] =	vst v47  }
0x27: {  	v50 =	vbroadcast v5, $0x6;
	[tilespmem:$0x1FCF0] =	vst v48  }
0x28: {  	v51 =	vbroadcast v5, $0x7;
	[tilespmem:$0x1FD00] =	vst v49  }
0x29: {  	v52 =	vbroadcast v5, $0x8;
	[tilespmem:$0x1FD10] =	vst v50  }
0x2a: {  	v2 =	vbroadcast v4, $0x0;
	v53 =	vbroadcast v5, $0x9;
	[tilespmem:$0x1FD20] =	vst v51  }
0x2b: {  	v3 =	vbroadcast v0, $0x0;
	v54 =	vbroadcast v5, $0xA;
	[tilespmem:$0x1FD30] =	vst v52  }
0x2c: {  	v7 =	vbroadcast v4, $0x1;
	v55 =	vbroadcast v5, $0xB;
	[tilespmem:$0x1FD40] =	vst v53  }
0x2d: {  	v8 =	vbroadcast v0, $0x1;
	v56 =	vbroadcast v5, $0xC;
	[tilespmem:$0x1FD50] =	vst v54  }
0x2e: {  	v34 =	vbroadcast v4, $0x2;
	v58 =	vbroadcast v5, $0xD;
	[tilespmem:$0x1FD60] =	vst v55  }
0x2f: {  	v19 =	vbroadcast v0, $0x2;
	v6 =	vbroadcast v0, $0xF;
	[tilespmem:$0x1FD70] =	vst v56  }
0x30: {  	v31 =	vbroadcast v4, $0x3;
	v9 =	vbroadcast v0, $0xD;
	[tilespmem:$0x1FD80] =	vst v58  }
0x31: {  	s30 =	sand.u32 $0x70, s16;
	s31 =	sand.u32 $0x3E00, s16;
	v21 =	vbroadcast v0, $0x3;
	v10 =	vbroadcast v0, $0xE;
	[tilespmem:$0x1FD90] =	vst v6  }
0x32: {  	s19 =	sor.u32 s30, s31;
	v33 =	vbroadcast v4, $0x4;
	v11 =	vbroadcast v0, $0xB;
	[tilespmem:$0x1FDA0] =	vst v9  }
0x33: {  	v14 =	vld [tilespmem:s19+$0x900];
	v20 =	vbroadcast v0, $0x4;
	v12 =	vbroadcast v5, $0xE;
	[tilespmem:$0x1FDB0] =	vst v10  }
0x34: {  	v35 =	vbroadcast v4, $0x5;
	v13 =	vbroadcast v0, $0x9;
	[tilespmem:$0x1FDC0] =	vst v11  }
0x35: {  	v44 =	vimm.f32 $3.000000010e+38;
	v17 =	vbroadcast v0, $0x5;
	v15 =	vbroadcast v0, $0xA;
	[tilespmem:$0x1FDD0] =	vst v12  }
0x36: {  	v43 =	vimm.f32 $3.000000010e+38;
	v29 =	vbroadcast v4, $0x6;
	v16 =	vbroadcast v0, $0x7;
	[tilespmem:$0x1FDF0] =	vst v13  }
0x37: {  	v41 =	vimm.f32 $3.000000010e+38;
	v18 =	vbroadcast v0, $0x6;
	v22 =	vbroadcast v0, $0x8;
	[tilespmem:$0x1FE00] =	vst v15  }
0x38: {  	v57 =	vbroadcast v0, $0xC;
	v6 =	vsub.f32 v6, v14;
	v9 =	vsub.f32 v9, v14;
	[tilespmem:$0x1FE10] =	vst v16  }
0x39: {  	v37 =	vbroadcast v4, $0x7;
	v10 =	vsub.f32 v10, v14;
	v11 =	vsub.f32 v11, v14;
	[tilespmem:$0x1FE20] =	vst v22  }
0x3a: {  	v26 =	vld [tilespmem:s19+$0x800];
	v32 =	vbroadcast v4, $0x8;
	v12 =	vsub.f32 v57, v14;
	v13 =	vsub.f32 v13, v14;
	[tilespmem:$0x1FE30] =	vst v17  }
0x3b: {  	v25 =	vbroadcast v4, $0xA;
	v15 =	vsub.f32 v15, v14;
	v16 =	vsub.f32 v16, v14;
	[tilespmem:$0x1FE40] =	vst v18  }
0x3c: {  	v39 =	vbroadcast v5, $0xF;
	v5 =	vsub.f32 v22, v14;
	v17 =	vsub.f32 v17, v14;
	[tilespmem:$0x1FE50] =	vst v20  }
0x3d: {  	v27 =	vbroadcast v4, $0x9;
	v18 =	vsub.f32 v18, v14;
	v20 =	vsub.f32 v20, v14;
	[tilespmem:$0x1FE70] =	vst v21  }
0x3e: {  	v36 =	vbroadcast v4, $0xB;
	v21 =	vsub.f32 v21, v14;
	v22 =	vsub.f32 v19, v14;
	[tilespmem:$0x1FF00] =	vst v25  }
0x3f: {  	v38 =	vbroadcast v4, $0xC;
	v25 =	vsub.f32 v25, v26;
	[tilespmem:$0x1FF10] =	vst v27;
	v27 =	vsub.f32 v27, v26  }
0x40: {  	v30 =	vbroadcast v4, $0xD;
	[tilespmem:$0x1FF30] =	vst v29;
	v61 =	vsub.f32 v29, v26;
	v29 =	vsub.f32 v37, v26  }
0x41: {  	v59 =	vbroadcast v4, $0xE;
	[tilespmem:$0x1FDE0] =	vst v57;
	v62 =	vsub.f32 v35, v26;
	v40 =	vsub.f32 v31, v26  }
0x42: {  	v4 =	vbroadcast v4, $0xF;
	[tilespmem:$0x1FE80] =	vst v19;
	v42 =	vsub.f32 v34, v26;
	v47 =	vsub.f32 v7, v26  }
0x43: {  	[tilespmem:$0x1FE90] =	vst v8;
	v45 =	vsub.f32 v2, v26;
	v57 =	vimm.f32 $3.000000010e+38;
	v54 =	vimm.f32 $3.000000010e+38  }
0x44: {  	[tilespmem:$0x1FEA0] =	vst v3;
	v55 =	vimm.f32 $3.000000010e+38;
	v63 =	vmul.f32 v6, v6;
	v6 =	vmul.f32 v9, v9  }
0x45: {  	[tilespmem:$0x1FEB0] =	vst v4;
	v52 =	vimm.f32 $3.000000010e+38;
	v60 =	vmul.f32 v10, v10;
	v10 =	vmul.f32 v11, v11  }
0x46: {  	[tilespmem:$0x1FEC0] =	vst v59;
	v53 =	vimm.f32 $3.000000010e+38;
	v9 =	vmul.f32 v12, v12;
	v12 =	vmul.f32 v13, v13  }
0x47: {  	[tilespmem:$0x1FED0] =	vst v30;
	v49 =	vimm.f32 $3.000000010e+38;
	v11 =	vmul.f32 v15, v15;
	v15 =	vmul.f32 v16, v16  }
0x48: {  	[tilespmem:$0x1FEE0] =	vst v36;
	v46 =	vimm.f32 $3.000000010e+38;
	v13 =	vmul.f32 v5, v5;
	v19 =	vmul.f32 v17, v17  }
0x49: {  	[tilespmem:$0x1FEF0] =	vst v38;
	v5 =	vsub.f32 v8, v14;
	v18 =	vmul.f32 v18, v18;
	v20 =	vmul.f32 v20, v20  }
0x4a: {  	[tilespmem:$0x1FF20] =	vst v32;
	v14 =	vsub.f32 v3, v14;
	v23 =	vmul.f32 v21, v21;
	v24 =	vmul.f32 v22, v22  }
0x4b: {  	[tilespmem:$0x1FF40] =	vst v37;
	v16 =	vsub.f32 v4, v26;
	v17 =	vsub.f32 v30, v26;
	v27 =	vmul.f32 v27, v27  }
0x4c: {  	[tilespmem:$0x1FF70] =	vst v31;
	v21 =	vsub.f32 v36, v26;
	v25 =	vmul.f32 v25, v25;
	v31 =	vmul.f32 v29, v29  }
0x4d: {  	[tilespmem:$0x1FF80] =	vst v34;
	v36 =	vld [tilespmem:s19+$0x880];
	v34 =	vmul.f32 v62, v62;
	v28 =	vmul.f32 v5, v5;
	v5 =	vsub.f32 v59, v26  }
0x4e: {  	[tilespmem:$0x1FF60] =	vst v35;
	v35 =	vimm.f32 $3.000000010e+38;
	v30 =	vmul.f32 v14, v14;
	v14 =	vmul.f32 v16, v16  }
0x4f: {  	[tilespmem:$0x1FF50] =	vst v33;
	v17 =	vmul.f32 v17, v17;
	v16 =	vmul.f32 v5, v5;
	v5 =	vsub.f32 v38, v26  }
0x50: {  	[tilespmem:$0x1FF90] =	vst v7;
	v22 =	vmul.f32 v21, v21;
	v59 =	vimm.f32 $3.000000010e+38;
	v38 =	vsub.f32 v33, v26  }
0x51: {  	[tilespmem:$0x1FFA0] =	vst v2;
	v33 =	vmul.f32 v61, v61;
	v21 =	vmul.f32 v5, v5;
	v5 =	vsub.f32 v32, v26  }
0x52: {  	[tilespmem:$0x1FFB0] =	vst v39;
	v37 =	vsub.f32 v39, v36;
	v39 =	vimm.f32 $3.000000010e+38;
	v32 =	vimm.f32 $3.000000010e+38  }
0x53: {  	s20 =	simm.s32 $0x10;
	s19 =	simm.s32 $0x0;
	[tilespmem:$0x1FE60] =	vst v60;
	v26 =	vimm.f32 $3.000000010e+38;
	v29 =	vmul.f32 v5, v5;
	v5 =	vimm.f32 $3.000000010e+38  }
.LBB2_5:
0x54: {  	v0 =	vld [tilespmem:$0x1FD80]  }
0x55: {  	v51 =	vld [tilespmem:$0x1FDD0]  }
0x56: {  	v56 =	vld [tilespmem:$0x1FD60]  }
0x57: {  	v58 =	vld [tilespmem:$0x1FD70]  }
0x58: {  	v60 =	vld [tilespmem:$0x1FD40]  }
0x59: {  	v61 =	vld [tilespmem:$0x1FD50]  }
0x5a: {  	v62 =	vld [tilespmem:$0x1FD20]  }
0x5b: {  	v48 =	vld [tilespmem:$0x1FD30]  }
0x5c: {  	v1 =	vld [tilespmem:$0x1FD10];
	v37 =	vmul.f32 v37, v37  }
0x5d: {  	v38 =	vmul.f32 v38, v38;
	v4 =	vld [tilespmem:$0x1FCC0]  }
0x5e: {  	v40 =	vmul.f32 v40, v40;
	v3 =	vld [tilespmem:$0x1FCB0];
	v14 =	vadd.f32 v37, v14;
	v50 =	vsub.f32 v0, v36  }
0x5f: {  	[tilespmem:$0x1FCA0] =	vst v26;
	v42 =	vmul.f32 v42, v42;
	v2 =	vld [tilespmem:$0x1FCF0];
	v51 =	vsub.f32 v51, v36;
	v56 =	vsub.f32 v56, v36  }
0x60: {  	v47 =	vmul.f32 v47, v47;
	v26 =	vmovc v5;
	v8 =	vld [tilespmem:$0x1FCD0];
	v58 =	vsub.f32 v58, v36;
	v60 =	vsub.f32 v60, v36  }
0x61: {  	v45 =	vmul.f32 v45, v45;
	v5 =	vmovc v63;
	v61 =	vsub.f32 v61, v36;
	v63 =	vsub.f32 v48, v36;
	v48 =	vld [tilespmem:$0x1FD00]  }
0x62: {  	v62 =	vsub.f32 v62, v36;
	v7 =	vsub.f32 v4, v36;
	v4 =	vld [tilespmem:$0x1FCE0];
	v51 =	vmul.f32 v51, v51  }
0x63: {  	v3 =	vsub.f32 v3, v36;
	v58 =	vmul.f32 v58, v58;
	v50 =	vmul.f32 v50, v50  }
0x64: {  	v1 =	vsub.f32 v1, v36;
	v61 =	vmul.f32 v61, v61;
	v56 =	vmul.f32 v56, v56  }
0x65: {  	v8 =	vsub.f32 v8, v36;
	v3 =	vmul.f32 v3, v3;
	v60 =	vmul.f32 v60, v60  }
0x66: {  	s21 =	sshra.s32 s19, $0x2;
	v2 =	vsub.f32 v2, v36;
	v7 =	vmul.f32 v7, v7;
	v63 =	vmul.f32 v63, v63  }
0x67: {  	v8 =	vmul.f32 v8, v8;
	v0 =	vsub.f32 v48, v36;
	v48 =	vld [tilespmem:s21+$0x4A00];
	v36 =	vsub.f32 v4, v36  }
0x68: {  	v62 =	vmul.f32 v62, v62;
	v2 =	vmul.f32 v2, v2;
	v3 =	vadd.f32 v3, v45  }
0x69: {  	v7 =	vadd.f32 v7, v47;
	v8 =	vadd.f32 v8, v42;
	v36 =	vmul.f32 v36, v36  }
0x6a: {  	v1 =	vmul.f32 v1, v1;
	v2 =	vadd.f32 v2, v38;
	v3 =	vadd.f32 v30, v3  }
0x6b: {  	v7 =	vadd.f32 v28, v7;
	v0 =	vmul.f32 v0, v0;
	v28 =	vadd.f32 v36, v40  }
0x6c: {  	v1 =	vadd.f32 v1, v33;
	v8 =	vadd.f32 v24, v8;
	v30 =	vmin.f32 v48, v3  }
0x6d: {  	v0 =	vadd.f32 v0, v34;
	v24 =	vmin.f32 v30, v7;
	v23 =	vadd.f32 v23, v28  }
0x6e: {  	v17 =	vadd.f32 v50, v17;
	v2 =	vadd.f32 v20, v2;
	v24 =	vmin.f32 v24, v8  }
0x6f: {  	v0 =	vadd.f32 v19, v0;
	v19 =	vadd.f32 v62, v31;
	v20 =	vmin.f32 v24, v23  }
0x70: {  	v1 =	vadd.f32 v18, v1;
	v18 =	vadd.f32 v63, v29;
	v20 =	vmin.f32 v20, v2  }
0x71: {  	v15 =	vadd.f32 v15, v19;
	v19 =	vadd.f32 v60, v27;
	v20 =	vmin.f32 v20, v0  }
0x72: {  	v13 =	vadd.f32 v13, v18;
	v18 =	vadd.f32 v61, v25;
	v20 =	vmin.f32 v20, v1  }
0x73: {  	v4 =	vld [tilespmem:$0x1FE60];
	v12 =	vadd.f32 v12, v19;
	v19 =	vadd.f32 v56, v22;
	v20 =	vmin.f32 v20, v15  }
0x74: {  	v11 =	vadd.f32 v11, v18;
	v18 =	vadd.f32 v58, v21;
	v20 =	vmin.f32 v20, v13  }
0x75: {  	v16 =	vadd.f32 v51, v16;
	v10 =	vadd.f32 v10, v19;
	v20 =	vmin.f32 v20, v12  }
0x76: {  	v6 =	vadd.f32 v6, v17;
	v9 =	vadd.f32 v9, v18;
	v19 =	vmin.f32 v20, v11  }
0x77: {  	v57 =	vmin.f32 v57, v7;
	v7 =	vadd.f32 v5, v14;
	v5 =	vmovc v26;
	v26 =	vld [tilespmem:$0x1FCA0];
	v18 =	vmin.f32 v19, v10  }
0x78: {  	v59 =	vmin.f32 v59, v3;
	v4 =	vadd.f32 v4, v16;
	v3 =	vmin.f32 v18, v9  }
0x79: {  	v3 =	vmin.f32 v3, v6  }
0x7a: {  	s19 =	sadd.s32 $0x40, s19;
	v3 =	vmin.f32 v3, v4  }
0x7b: {  	s22 =	sand.u32 $0x70, s20;
	s23 =	sand.u32 $0x3E00, s19;
	v58 =	vmin.f32 v3, v7  }
0x7c: {  	s22 =	sor.u32 s22, s23;
	v26 =	vmin.f32 v26, v4;
	v4 =	vld [tilespmem:$0x1FDC0];
	[tilespmem:s21+$0x4A00] =	vst v58  }
0x7d: {  	v53 =	vmin.f32 v53, v0;
	v0 =	vld [tilespmem:s22+$0x900];
	_ =	sdelay $0x4  }
0x7e: {  	v5 =	vmin.f32 v5, v7;
	v7 =	vsub.f32 v4, v0;
	v4 =	vld [tilespmem:$0x1FDE0];
	_ =	sdelay $0x4  }
0x7f: {  	v54 =	vmin.f32 v54, v8;
	v8 =	vsub.f32 v4, v0;
	v4 =	vld [tilespmem:$0x1FDF0];
	_ =	sdelay $0x4  }
0x80: {  	v41 =	vmin.f32 v41, v11;
	v11 =	vsub.f32 v4, v0;
	v4 =	vld [tilespmem:$0x1FE00];
	_ =	sdelay $0x4  }
0x81: {  	v44 =	vmin.f32 v44, v13;
	v13 =	vsub.f32 v4, v0;
	v4 =	vld [tilespmem:$0x1FE10];
	_ =	sdelay $0x4  }
0x82: {  	v14 =	vsub.f32 v4, v0;
	v4 =	vld [tilespmem:$0x1FE20];
	_ =	sdelay $0x4  }
0x83: {  	v16 =	vsub.f32 v4, v0;
	v4 =	vld [tilespmem:$0x1FE30];
	_ =	sdelay $0x4  }
0x84: {  	v17 =	vsub.f32 v4, v0;
	v4 =	vld [tilespmem:$0x1FE40];
	_ =	sdelay $0x4  }
0x85: {  	v18 =	vsub.f32 v4, v0;
	v4 =	vld [tilespmem:$0x1FE50];
	_ =	sdelay $0x1  }
0x86: {  	v3 =	vld [tilespmem:$0x1FDB0];
	_ =	sdelay $0x2  }
0x87: {  	v20 =	vsub.f32 v4, v0;
	v4 =	vld [tilespmem:$0x1FE90]  }
0x88: {  	v50 =	vld [tilespmem:$0x1FE70]  }
0x89: {  	v61 =	vld [tilespmem:$0x1FDA0];
	v3 =	vsub.f32 v3, v0  }
0x8a: {  	v60 =	vld [tilespmem:$0x1FD90]  }
0x8b: {  	v48 =	vmul.f32 v3, v3;
	v3 =	vld [tilespmem:$0x1FE80]  }
0x8c: {  	v39 =	vmin.f32 v39, v10;
	v10 =	vmul.f32 v7, v7;
	v7 =	vsub.f32 v4, v0;
	v4 =	vld [tilespmem:$0x1FEA0];
	_ =	sdelay $0x1  }
0x8d: {  	v52 =	vmin.f32 v52, v2;
	v2 =	vsub.f32 v61, v0  }
0x8e: {  	v49 =	vmin.f32 v49, v1;
	v32 =	vmin.f32 v32, v6  }
0x8f: {  	v62 =	vld [tilespmem:s22+$0x800];
	v1 =	vsub.f32 v60, v0;
	v6 =	vmul.f32 v2, v2;
	v2 =	vsub.f32 v50, v0  }
0x90: {  	v3 =	vsub.f32 v3, v0;
	v0 =	vsub.f32 v4, v0;
	v4 =	vld [tilespmem:$0x1FEC0];
	_ =	sdelay $0x4  }
0x91: {  	v35 =	vmin.f32 v35, v9;
	v9 =	vmul.f32 v8, v8;
	v8 =	vsub.f32 v4, v62;
	v4 =	vld [tilespmem:$0x1FEB0];
	_ =	sdelay $0x4  }
0x92: {  	v46 =	vmin.f32 v46, v15;
	v15 =	vmul.f32 v14, v14;
	v14 =	vsub.f32 v4, v62;
	v4 =	vld [tilespmem:$0x1FED0];
	_ =	sdelay $0x3  }
0x93: {  	v43 =	vmin.f32 v43, v12;
	v12 =	vmul.f32 v11, v11  }
0x94: {  	v11 =	vmul.f32 v13, v13;
	v13 =	vmul.f32 v16, v16;
	v16 =	vsub.f32 v4, v62;
	v4 =	vld [tilespmem:$0x1FEE0];
	_ =	sdelay $0x4  }
0x95: {  	v21 =	vsub.f32 v4, v62;
	v4 =	vld [tilespmem:$0x1FF20];
	_ =	sdelay $0x4  }
0x96: {  	v28 =	vmul.f32 v7, v7;
	v7 =	vsub.f32 v4, v62;
	v4 =	vld [tilespmem:$0x1FF10];
	_ =	sdelay $0x4  }
0x97: {  	v25 =	vsub.f32 v4, v62;
	v4 =	vld [tilespmem:$0x1FF40];
	_ =	sdelay $0x4  }
0x98: {  	v29 =	vsub.f32 v4, v62;
	v4 =	vld [tilespmem:$0x1FF50];
	_ =	sdelay $0x4  }
0x99: {  	v38 =	vsub.f32 v4, v62;
	v4 =	vld [tilespmem:$0x1FF60];
	_ =	sdelay $0x3  }
0x9a: {  	v51 =	vld [tilespmem:$0x1FEF0]  }
0x9b: {  	v58 =	vsub.f32 v4, v62;
	v4 =	vld [tilespmem:$0x1FF70]  }
0x9c: {  	v56 =	vld [tilespmem:$0x1FF30]  }
0x9d: {  	v60 =	vld [tilespmem:$0x1FF90]  }
0x9e: {  	v61 =	vld [tilespmem:$0x1FFA0]  }
0x9f: {  	v24 =	vmul.f32 v3, v3;
	v3 =	vld [tilespmem:$0x1FF00]  }
0xa0: {  	v40 =	vsub.f32 v4, v62;
	v4 =	vld [tilespmem:$0x1FF80]  }
0xa1: {  	v55 =	vmin.f32 v55, v23;
	v63 =	vmul.f32 v1, v1  }
0xa2: {  	v23 =	vmul.f32 v2, v2;
	v2 =	vsub.f32 v51, v62;
	v47 =	vsub.f32 v60, v62  }
0xa3: {  	v45 =	vsub.f32 v61, v62;
	v30 =	vmul.f32 v0, v0;
	v0 =	vsub.f32 v56, v62  }
0xa4: {  	v36 =	vld [tilespmem:s22+$0x880];
	v3 =	vsub.f32 v3, v62;
	v19 =	vmul.f32 v17, v17;
	v18 =	vmul.f32 v18, v18  }
0xa5: {  	p0 =	sne.s32 s20, $0xFF0;
	v20 =	vmul.f32 v20, v20;
	v33 =	vmul.f32 v0, v0;
	v42 =	vsub.f32 v4, v62;
	v62 =	vld [tilespmem:$0x1FFB0]  }
.Ltmp1:
0xa6: {  	v14 =	vmul.f32 v14, v14;
	v17 =	vmul.f32 v16, v16;
	(pc) =	sbr.rel @p0 .LBB2_5-.Ltmp1, $4  }
0xa7: {  	v16 =	vmul.f32 v8, v8;
	v22 =	vmul.f32 v21, v21  }
0xa8: {  	v21 =	vmul.f32 v2, v2;
	v27 =	vmul.f32 v25, v25  }
0xa9: {  	v25 =	vmul.f32 v3, v3;
	v31 =	vmul.f32 v29, v29  }
0xaa: {  	s20 =	sadd.s32 $0x10, s20;
	[tilespmem:$0x1FE60] =	vst v48;
	v29 =	vmul.f32 v7, v7;
	v34 =	vmul.f32 v58, v58;
	v37 =	vsub.f32 v62, v36  }
0xab: {  	v0 =	vld [tilespmem:$0x1FD80]  }
0xac: {  	v2 =	vld [tilespmem:$0x1FD60]  }
0xad: {  	v3 =	vld [tilespmem:$0x1FD70]  }
0xae: {  	v4 =	vld [tilespmem:$0x1FD40]  }
0xaf: {  	v48 =	vld [tilespmem:$0x1FD50]  }
0xb0: {  	v50 =	vld [tilespmem:$0x1FD20]  }
0xb1: {  	v51 =	vld [tilespmem:$0x1FCB0]  }
0xb2: {  	v56 =	vld [tilespmem:$0x1FD30]  }
0xb3: {  	v58 =	vld [tilespmem:$0x1FCC0]  }
0xb4: {  	v60 =	vld [tilespmem:$0x1FD00]  }
0xb5: {  	v61 =	vld [tilespmem:$0x1FD10];
	v0 =	vsub.f32 v0, v36;
	v2 =	vsub.f32 v2, v36  }
0xb6: {  	v62 =	vld [tilespmem:$0x1FCF0];
	v3 =	vsub.f32 v3, v36;
	v8 =	vsub.f32 v48, v36  }
0xb7: {  	v1 =	vld [tilespmem:$0x1FDD0];
	v47 =	vmul.f32 v47, v47;
	v48 =	vsub.f32 v50, v36;
	v50 =	vsub.f32 v51, v36  }
0xb8: {  	v45 =	vmul.f32 v45, v45;
	v51 =	vsub.f32 v56, v36;
	v56 =	vsub.f32 v58, v36  }
0xb9: {  	v38 =	vmul.f32 v38, v38;
	v7 =	vsub.f32 v4, v36;
	v58 =	vsub.f32 v60, v36  }
0xba: {  	v60 =	vsub.f32 v61, v36;
	v50 =	vmul.f32 v50, v50;
	v56 =	vmul.f32 v56, v56  }
0xbb: {  	v61 =	vsub.f32 v62, v36;
	v62 =	vld [tilespmem:$0x1FCD0];
	v8 =	vmul.f32 v8, v8;
	v7 =	vmul.f32 v7, v7  }
0xbc: {  	v1 =	vsub.f32 v1, v36;
	v4 =	vld [tilespmem:$0x1FCE0];
	v2 =	vmul.f32 v2, v2;
	v3 =	vmul.f32 v3, v3  }
0xbd: {  	v0 =	vmul.f32 v0, v0;
	v45 =	vadd.f32 v50, v45;
	v47 =	vadd.f32 v56, v47  }
0xbe: {  	v1 =	vmul.f32 v1, v1;
	v7 =	vadd.f32 v7, v27;
	v8 =	vadd.f32 v8, v25  }
0xbf: {  	v50 =	vmul.f32 v61, v61;
	v2 =	vadd.f32 v2, v22;
	v3 =	vadd.f32 v3, v21  }
0xc0: {  	v56 =	vmul.f32 v58, v58;
	v0 =	vadd.f32 v0, v17;
	v1 =	vadd.f32 v1, v16  }
0xc1: {  	v58 =	vmul.f32 v60, v60;
	v62 =	vsub.f32 v62, v36;
	v36 =	vsub.f32 v4, v36  }
0xc2: {  	v60 =	vmul.f32 v48, v48;
	v30 =	vadd.f32 v30, v45;
	v28 =	vadd.f32 v28, v47  }
0xc3: {  	v61 =	vmul.f32 v51, v51;
	v38 =	vadd.f32 v50, v38;
	v34 =	vadd.f32 v56, v34  }
0xc4: {  	v42 =	vmul.f32 v42, v42;
	v33 =	vadd.f32 v58, v33;
	v31 =	vadd.f32 v60, v31  }
0xc5: {  	s19 =	sshra.s32 s19, $0x2;
	v21 =	vmul.f32 v37, v37;
	v29 =	vadd.f32 v61, v29;
	v7 =	vadd.f32 v12, v7  }
0xc6: {  	v8 =	vadd.f32 v11, v8;
	v2 =	vadd.f32 v10, v2;
	v4 =	vmul.f32 v62, v62;
	v62 =	vld [tilespmem:s19+$0x4A00]  }
0xc7: {  	v40 =	vmul.f32 v40, v40;
	v3 =	vadd.f32 v9, v3;
	v6 =	vadd.f32 v6, v0  }
0xc8: {  	v27 =	vadd.f32 v21, v14;
	v36 =	vmul.f32 v36, v36;
	v20 =	vadd.f32 v20, v38  }
0xc9: {  	v19 =	vadd.f32 v19, v34;
	v42 =	vadd.f32 v4, v42  }
0xca: {  	vm5 =	vmmov $0x3f;
	v18 =	vadd.f32 v18, v33;
	v36 =	vadd.f32 v36, v40  }
0xcb: {  	v15 =	vadd.f32 v15, v31;
	v24 =	vadd.f32 v24, v42;
	v22 =	vmin.f32 v62, v30  }
0xcc: {  	v13 =	vadd.f32 v13, v29;
	v23 =	vadd.f32 v23, v36;
	v25 =	vmin.f32 v22, v28;
	v22 =	vld [tilespmem:$0x1FFC0]  }
0xcd: {  	v29 =	vmin.f32 v59, v30;
	v33 =	vmin.f32 v57, v28;
	v9 =	vmin.f32 v25, v24  }
0xce: {  	v0 =	vadd.f32 v63, v27;
	v37 =	vmin.f32 v52, v20;
	v31 =	vmin.f32 v9, v23  }
0xcf: {  	v38 =	vmin.f32 v53, v19;
	v40 =	vmin.f32 v49, v18;
	v4 =	vmin.f32 v31, v20  }
0xd0: {  	v34 =	vmin.f32 v54, v24;
	v36 =	vmin.f32 v55, v23;
	v4 =	vmin.f32 v4, v19  }
0xd1: {  	v23 =	vld [tilespmem:$0x1FFD0];
	v4 =	vmin.f32 v4, v18;
	v42 =	vperm.xlane v29, v22;
	v47 =	vperm.xlane v36, v22  }
0xd2: {  	v50 =	vperm.xlane v37, v22;
	v58 =	vperm.xlane v38, v22;
	v4 =	vmin.f32 v4, v15  }
0xd3: {  	v30 =	vld [tilespmem:$0x1FE60];
	v61 =	vperm.xlane v40, v22;
	v15 =	vmin.f32 v46, v15;
	v4 =	vmin.f32 v4, v13  }
0xd4: {  	v13 =	vmin.f32 v44, v13;
	v10 =	vmin.f32 v29, v42;
	v44 =	vperm.xlane v34, v22  }
0xd5: {  	v12 =	vmin.f32 v36, v47;
	v14 =	vmin.f32 v37, v50;
	v16 =	vmin.f32 v40, v61  }
0xd6: {  	v20 =	vperm.xlane v15, v22;
	v4 =	vmin.f32 v4, v7;
	v18 =	vperm.xlane v10, v23  }
0xd7: {  	v7 =	vmin.f32 v43, v7;
	v43 =	vperm.xlane v33, v22;
	v52 =	vperm.xlane v12, v23  }
0xd8: {  	v1 =	vadd.f32 v30, v1;
	v54 =	vperm.xlane v14, v23;
	v63 =	vperm.xlane v16, v23  }
0xd9: {  	v24 =	vld [tilespmem:$0x1FFE0];
	v4 =	vmin.f32 v4, v8;
	v8 =	vmin.f32 v41, v8;
	v11 =	vmin.f32 v34, v44  }
0xda: {  	v15 =	vmin.f32 v15, v20;
	v34 =	vperm.xlane v7, v22;
	v4 =	vmin.f32 v4, v2  }
0xdb: {  	v2 =	vmin.f32 v39, v2;
	v10 =	vmin.f32 v10, v18;
	v9 =	vmin.f32 v33, v43  }
0xdc: {  	v46 =	vperm.xlane v11, v23;
	v12 =	vmin.f32 v12, v52;
	v57 =	vmin.f32 v14, v54  }
0xdd: {  	v14 =	vmin.f32 v38, v58;
	v17 =	vperm.xlane v15, v23;
	v38 =	vperm.xlane v8, v22  }
0xde: {  	v4 =	vmin.f32 v4, v3;
	v18 =	vperm.xlane v10, v24;
	v45 =	vperm.xlane v9, v23  }
0xdf: {  	v3 =	vmin.f32 v35, v3;
	v56 =	vperm.xlane v12, v24;
	v59 =	vperm.xlane v57, v24  }
0xe0: {  	v25 =	vld [tilespmem:$0x1FFF0];
	v62 =	vperm.xlane v14, v23;
	v7 =	vmin.f32 v7, v34;
	v41 =	vperm.xlane v2, v22  }
0xe1: {  	v4 =	vmin.f32 v4, v6;
	v6 =	vmin.f32 v32, v6;
	v11 =	vmin.f32 v11, v46  }
0xe2: {  	v30 =	vmin.f32 v15, v17;
	v8 =	vmin.f32 v8, v38;
	v4 =	vmin.f32 v4, v1  }
0xe3: {  	v10 =	vmin.f32 v10, v18;
	v9 =	vmin.f32 v9, v45;
	v51 =	vperm.xlane v11, v24  }
0xe4: {  	v1 =	vmin.f32 v26, v1;
	v26 =	vperm.xlane v13, v22;
	v33 =	vperm.xlane v30, v24  }
0xe5: {  	v12 =	vmin.f32 v12, v56;
	v43 =	vperm.xlane v8, v23;
	v48 =	vperm.xlane v10, v25  }
0xe6: {  	v2 =	vmin.f32 v2, v41;
	v49 =	vperm.xlane v9, v24;
	v60 =	vperm.xlane v12, v25  }
0xe7: {  	v4 =	vmin.f32 v4, v0;
	v0 =	vmin.f32 v5, v0;
	v54 =	vperm.xlane v1, v22  }
0xe8: {  	v11 =	vmin.f32 v11, v51;
	v28 =	vmin.f32 v13, v26;
	v35 =	vmin.f32 v30, v33  }
0xe9: {  	v8 =	vmin.f32 v8, v43;
	v9 =	vmin.f32 v9, v49;
	v55 =	vperm.xlane v11, v25  }
0xea: {  	v10 =	vmin.f32 v10, v48;
	v31 =	vperm.xlane v28, v23;
	v37 =	vperm.xlane v35, v25  }
0xeb: {  	v12 =	vmin.f32 v12, v60;
	v45 =	vperm.xlane v8, v24;
	v48 =	vperm.xlane v3, v22  }
0xec: {  	v1 =	vmin.f32 v1, v54;
	v53 =	vperm.xlane v9, v25;
	v11 =	vmin.f32 v11, v55  }
0xed: {  	v39 =	vmin.f32 v35, v37;
	v8 =	vmin.f32 v8, v45;
	v3 =	vmin.f32 v3, v48  }
0xee: {  	v55 =	vperm.xlane v0, v22;
	v9 =	vmin.f32 v9, v53;
	v47 =	vperm.xlane v8, v25  }
0xef: {  	v52 =	vperm.xlane v3, v23;
	v53 =	vperm.xlane v6, v22;
	v9 =	vsel vm0, v10, v9  }
0xf0: {  	v10 =	vmin.f32 v57, v59;
	v0 =	vmin.f32 v0, v55;
	v57 =	vperm.xlane v1, v23  }
0xf1: {  	v9 =	vsel vm1, v9, v11;
	v18 =	vperm.xlane v10, v25;
	v11 =	vmin.f32 v14, v62  }
0xf2: {  	v14 =	vmin.f32 v16, v63;
	v50 =	vmin.f32 v8, v47;
	v21 =	vperm.xlane v11, v24  }
0xf3: {  	v3 =	vmin.f32 v3, v52;
	v6 =	vmin.f32 v6, v53;
	v58 =	vperm.xlane v0, v23  }
0xf4: {  	v9 =	vsel vm2, v9, v12;
	v27 =	vperm.xlane v14, v24;
	v11 =	vmin.f32 v11, v21  }
0xf5: {  	v56 =	vperm.xlane v6, v23;
	v1 =	vmin.f32 v1, v57;
	v29 =	vperm.xlane v11, v25  }
0xf6: {  	v10 =	vmin.f32 v10, v18;
	v0 =	vmin.f32 v0, v58;
	v60 =	vperm.xlane v1, v24  }
0xf7: {  	v9 =	vsel vm3, v9, v10;
	v12 =	vmin.f32 v14, v27;
	v11 =	vmin.f32 v11, v29  }
0xf8: {  	v10 =	vmin.f32 v28, v31;
	v9 =	vsel vm4, v9, v11;
	v11 =	vperm.xlane v7, v23  }
0xf9: {  	v6 =	vmin.f32 v6, v56;
	v32 =	vperm.xlane v12, v25;
	v36 =	vperm.xlane v10, v24  }
0xfa: {  	v59 =	vperm.xlane v6, v24;
	v1 =	vmin.f32 v1, v60;
	v7 =	vmin.f32 v7, v11  }
0xfb: {  	v12 =	vmin.f32 v12, v32;
	v10 =	vmin.f32 v10, v36;
	v42 =	vperm.xlane v7, v24  }
0xfc: {  	v6 =	vmin.f32 v6, v59;
	v40 =	vperm.xlane v10, v25;
	v11 =	vperm.xlane v2, v23  }
0xfd: {  	v9 =	vsel vm5, v9, v12;
	vm5 =	vmmov $0x7f;
	v7 =	vmin.f32 v7, v42  }
0xfe: {  	v9 =	vsel vm5, v9, v39;
	v2 =	vmin.f32 v2, v11;
	v44 =	vperm.xlane v7, v25  }
0xff: {  	v10 =	vmin.f32 v10, v40;
	vm5 =	vmmov $0xff;
	v46 =	vperm.xlane v2, v24  }
0x100: {  	v9 =	vsel vm5, v9, v10;
	vm5 =	vmmov $0x1ff;
	v7 =	vmin.f32 v7, v44  }
0x101: {  	v2 =	vmin.f32 v2, v46;
	v49 =	vsel vm5, v9, v7;
	v9 =	vperm.xlane v3, v24  }
0x102: {  	v61 =	vperm.xlane v6, v25;
	v51 =	vperm.xlane v2, v25;
	vm5 =	vmmov $0x3ff  }
0x103: {  	v7 =	vperm.xlane v0, v24;
	v5 =	vsel vm5, v49, v50;
	v3 =	vmin.f32 v3, v9  }
0x104: {  	v2 =	vmin.f32 v2, v51;
	vm5 =	vmmov $0x7ff;
	v9 =	vperm.xlane v3, v25  }
0x105: {  	s17 =	sadd.s32 $0x1, s17;
	v62 =	vperm.xlane v1, v25;
	v2 =	vsel vm5, v5, v2;
	vm5 =	vmmov $0xfff  }
0x106: {  	p0 =	sne.s32 s17, $0x20;
	v0 =	vmin.f32 v0, v7;
	v5 =	vmin.f32 v6, v61;
	v3 =	vmin.f32 v3, v9  }
.Ltmp2:
0x107: {  	v63 =	vperm.xlane v0, v25;
	v2 =	vsel vm5, v2, v3;
	vm5 =	vmmov $0x1fff;
	(pc) =	sbr.rel @p0 .LBB2_4-.Ltmp2, $4  }
0x108: {  	v1 =	vmin.f32 v1, v62;
	v2 =	vsel vm5, v2, v5;
	vm5 =	vmmov $0x3fff  }
0x109: {  	v0 =	vmin.f32 v0, v63;
	v1 =	vsel vm5, v2, v1;
	vm5 =	vmmov $0x7fff  }
0x10a: {  	[tilespmem:s19+$0x4A00] =	vst v4;
	v0 =	vsel vm5, v1, v0  }
0x10b: {  	[tilespmem:s18+$0x4800] =	vst v0  }
0x10c: {  	[hbm4b:s5+s10] =	stream.strided.scatter [tilespmem:s12], [sflag:$0x1], $0x200, s11, s10, $0x38;
	[tilespmem:$0x5A00] =	vst v63  }
0x10d: {  	s15 =	sadd.s32 $0x1, s15;
	_ =	swait.ge [sflag:s8], $0x200  }
0x10e: {  	p0 =	sne.s32 s15, s7;
	[sflag:s8] =	ssyncset.done $0x0  }
.Ltmp3:
0x10f: {  	[sflag:s8] =	ssyncadd.s32 $0xFFFFFE00;
	(pc) =	sbr.rel @p0 .LBB2_1-.Ltmp3, $4  }
0x110: {  	[hbm4b:s6+s10] =	stream.strided.scatter [tilespmem:s14], [sflag:$0x1], $0x1000, s13, s10, $0x38;
	[tilespmem:$0x5A00] =	vst v63  }
0x111: {  	_ =	swait.ge [sflag:s8], $0x1000  }
0x112: {  	[sflag:s8] =	ssyncset.done $0x0  }
0x113: {  	v5 =	vimm.f32 $3.000000010e+38;
	[sflag:s8] =	ssyncadd.s32 $0xFFFFF000  }
0x114: {  	_ =	sfence.sel $0x180000  }
0x115: {  	[bflag:$0x0] =	sbarrier.arrive $0xFFFF  }
0x116: {  	p0 =	sne.s32 s0, $0x0;
	_ =	strace $0x90000047  }
0x117: {  	s0 =	sadd.s32 @!p0 $0x100000, s1;
	[bflag:$0x2] =	sbarrier.arrive $0xFFFF  }
0x118: {  	[sflag:s0] =	ssyncadd.tile.s32 @!p0 $0x1;
	_ =	shalt  }
.Lfunc_end2:
_tile_overlayer_lowered:
.L_overlay_start_2:
0x119: {  	(tag) =	ssettag $0x2  }
0x11a: {  	s0 =	rddreg [dreg:$0x0];
	s2 =	stileid.u32  }
0x11b: {  	s1 =	rddreg [dreg:$0x1];
	p0 =	sne.s32 s2, $0x0  }
0x11c: {  	s3 =	rddreg [dreg:$0x2];
	[bflag:$0x3] =	sbarrier.arrive $0xFFFF;
	s2 =	simm.s32 @!p0 $0x1C01  }
0x11d: {  	[timem:s3], [sflag:s2] =	dma.local @!p0 [hbm:s0], s1  }
0x11e: {  	s0 =	simm.s32 @!p0 $0x1  }
0x11f: {  	_ =	swait.ge @!p0 [sflag:s0], s1  }
0x120: {  	s1 =	ssub.s32 @!p0 $0x0, s1;
	[sflag:s0] =	ssyncset.done @!p0 $0x0  }
0x121: {  	[sflag:s0] =	ssyncadd.s32 @!p0 s1  }
0x122: {  	[bflag:$0x3] =	sbarrier.arrive $0xFFFF  }
0x123: {  	_ =	shalt  }

</sc_bundles>
